<compile_context>
chip_gen: v7x
topology: tpu7x:2x2x1
jax: 0.10.2.dev20260603
libtpu: 0.0.44.dev20260713+nightly
codegen_flags: <defaults>
</compile_context>

<pallas_src>
import functools

import jax
import jax.numpy as jnp
from jax import lax
from jax.experimental import pallas as pl
from jax.experimental.pallas import tpu as pltpu
from jax.experimental.pallas import tpu_sc as plsc

B = 16384
D = 64

_NC = 2
_NS = 16
_NW = _NC * _NS
_BPW = B // _NW
_CH = _BPW // 2
_L = 16


def _sc_gather_body(uid_hbm, mid_hbm, ue_tab, me_tab, ue_out, me_out,
                    idx_u, idx_m, div_u, div_m, rows_u, rows_m,
                    sem_u, sem_m):
  wid = lax.axis_index("s") * _NC + lax.axis_index("c")
  base = wid * _BPW

  pltpu.sync_copy(uid_hbm.at[pl.ds(base, _BPW)], idx_u)
  pltpu.sync_copy(mid_hbm.at[pl.ds(base, _BPW)], idx_m)

  def div_body(j, _):
    s = pl.ds(j * _L, _L)
    div_u[s] = lax.shift_right_logical(idx_u[s], 1)
    div_m[s] = lax.shift_right_logical(idx_m[s], 1)
    return 0

  lax.fori_loop(0, _BPW // _L, div_body, 0, unroll=False)

  for p in range(_BPW // _CH):
    s = pl.ds(p * _CH, _CH)
    cu = pltpu.async_copy(ue_tab.at[div_u.at[s]], rows_u, sem_u)
    cm = pltpu.async_copy(me_tab.at[div_m.at[s]], rows_m, sem_m)
    cu.wait()
    pltpu.sync_copy(rows_u, ue_out.at[pl.ds(base + p * _CH, _CH)])
    cm.wait()
    pltpu.sync_copy(rows_m, me_out.at[pl.ds(base + p * _CH, _CH)])


def _sc_gather(user_ids, movie_ids, user_emb, movie_emb):
  mesh = plsc.VectorSubcoreMesh(core_axis_name="c", subcore_axis_name="s",
                                num_cores=_NC, num_subcores=_NS)
  f = pl.kernel(
      _sc_gather_body,
      out_type=(
          jax.ShapeDtypeStruct((B, 2 * D), jnp.float32),
          jax.ShapeDtypeStruct((B, 2 * D), jnp.float32),
      ),
      mesh=mesh,
      compiler_params=pltpu.CompilerParams(use_tc_tiling_on_sc=True,
                                           needs_layout_passes=False),
      scratch_types=[
          pltpu.VMEM((_BPW,), jnp.int32),
          pltpu.VMEM((_BPW,), jnp.int32),
          pltpu.VMEM((_BPW,), jnp.int32),
          pltpu.VMEM((_BPW,), jnp.int32),
          pltpu.VMEM((_CH, 2 * D), jnp.float32),
          pltpu.VMEM((_CH, 2 * D), jnp.float32),
          pltpu.SemaphoreType.DMA,
          pltpu.SemaphoreType.DMA,
      ],
  )
  return f(user_ids, movie_ids,
           user_emb.reshape(-1, 2 * D), movie_emb.reshape(-1, 2 * D))


def _mlp_body(genres, ue2, me2, uids, mids, bias, gWT, gb, W0aT, W0bT,
              W0cT, b0, W1T, b1, W2T, b2, Wo, bo, out):
  pu = lax.bitwise_and(uids[...], 1)[:, None]
  pm = lax.bitwise_and(mids[...], 1)[:, None]
  ue = jnp.where(pu == 1, ue2[..., D:], ue2[..., :D])
  me = jnp.where(pm == 1, me2[..., D:], me2[..., :D])
  h = _tower(genres, ue, me, bias, gWT, gb, W0aT, W0bT, W0cT, b0, W1T,
             b1, W2T, b2, Wo, bo)
  out[...] = h


def _tower(genres, ue, me, bias, gWT, gb, W0aT, W0bT, W0cT, b0, W1T, b1,
           W2T, b2, Wo, bo):
  gf = jnp.maximum(
      jnp.dot(genres[...], gWT[...], preferred_element_type=jnp.float32)
      + gb[...], 0.0)
  h = (jnp.dot(ue[...], W0aT[...], preferred_element_type=jnp.float32)
       + jnp.dot(me[...], W0bT[...], preferred_element_type=jnp.float32)
       + jnp.dot(gf, W0cT[...], preferred_element_type=jnp.float32)
       + b0[...])
  h = jnp.maximum(h, 0.0)
  h = jnp.maximum(
      jnp.dot(h, W1T[...], preferred_element_type=jnp.float32) + b1[...], 0.0)
  h = jnp.maximum(
      jnp.dot(h, W2T[...], preferred_element_type=jnp.float32) + b2[...], 0.0)
  base = jnp.sum(h * Wo[...], axis=1) + bo[0, 0]
  final = base + bias[...]
  return jax.nn.sigmoid(final) * 5.0


def _mlp(genres, ue2, me2, uids, mids, bias, gWT, gb, W0aT, W0bT, W0cT,
         b0, W1T, b1, W2T, b2, Wo, bo):
  blk = 2048
  grid = (B // blk,)
  NG = genres.shape[1]

  def rows(i):
    return (i, 0)

  def full(i):
    return (0, 0)

  def vec(i):
    return (i,)

  in_specs = [
      pl.BlockSpec((blk, NG), rows),
      pl.BlockSpec((blk, 2 * D), rows),
      pl.BlockSpec((blk, 2 * D), rows),
      pl.BlockSpec((blk,), vec),
      pl.BlockSpec((blk,), vec),
      pl.BlockSpec((blk,), vec),
      pl.BlockSpec(gWT.shape, full),
      pl.BlockSpec(gb.shape, full),
      pl.BlockSpec(W0aT.shape, full),
      pl.BlockSpec(W0bT.shape, full),
      pl.BlockSpec(W0cT.shape, full),
      pl.BlockSpec(b0.shape, full),
      pl.BlockSpec(W1T.shape, full),
      pl.BlockSpec(b1.shape, full),
      pl.BlockSpec(W2T.shape, full),
      pl.BlockSpec(b2.shape, full),
      pl.BlockSpec(Wo.shape, full),
      pl.BlockSpec(bo.shape, full),
  ]
  return pl.pallas_call(
      _mlp_body,
      grid=grid,
      in_specs=in_specs,
      out_specs=pl.BlockSpec((blk,), vec),
      out_shape=jax.ShapeDtypeStruct((B,), jnp.float32),
  )(genres, ue2, me2, uids, mids, bias, gWT, gb, W0aT, W0bT, W0cT, b0,
    W1T, b1, W2T, b2, Wo, bo)


def kernel(user_ids, movie_ids, genres, user_emb, movie_emb, user_bias,
           movie_bias, genre_W, genre_b, W0, b0, W1, b1, W2, b2, Wo, bo):
  ue2, me2 = _sc_gather(user_ids, movie_ids, user_emb, movie_emb)
  ub = jnp.take(user_bias, user_ids, axis=0)[:, 0]
  mb = jnp.take(movie_bias, movie_ids, axis=0)[:, 0]
  bias = ub + mb
  gWT = genre_W.T
  W0aT = W0[:, :D].T
  W0bT = W0[:, D:2 * D].T
  W0cT = W0[:, 2 * D:].T
  return _mlp(genres, ue2, me2, user_ids, movie_ids, bias,
              gWT, genre_b.reshape(1, -1),
              W0aT, W0bT, W0cT, b0.reshape(1, -1),
              W1.T, b1.reshape(1, -1),
              W2.T, b2.reshape(1, -1),
              Wo, bo.reshape(1, 1))

# --- scband reference (transcript-rebuilt; emitter-appended) ---
"""Pipeline reference for scband-hybrid-ncf-87634512707768 (READ-ONLY COPY).

The authoritative reference and input builder live on the scoring server;
editing this copy changes nothing except your own understanding.
"""

import jax, jax.numpy as jnp
import numpy as np

B = 16384
NU = 1000000
NM = 100000
NG = 26
D = 64
H = [128, 64, 32]


def setup_inputs(seed: int = 0) -> dict:
    key = jax.random.key(seed)
    ks = jax.random.split(key, 20)
    inp = {}
    inp["user_ids"] = jax.random.randint(ks[0], (B,), 0, NU, dtype=jnp.int32)
    inp["movie_ids"] = jax.random.randint(ks[1], (B,), 0, NM, dtype=jnp.int32)
    inp["genres"] = jax.random.uniform(ks[2], (B, NG), dtype=jnp.float32)
    inp["user_emb"] = jax.random.normal(ks[3], (NU, D), dtype=jnp.float32) * 0.02
    inp["movie_emb"] = jax.random.normal(ks[4], (NM, D), dtype=jnp.float32) * 0.02
    inp["user_bias"] = jax.random.normal(ks[5], (NU, 1), dtype=jnp.float32) * 0.02
    inp["movie_bias"] = jax.random.normal(ks[6], (NM, 1), dtype=jnp.float32) * 0.02
    inp["genre_W"] = jax.random.normal(ks[7], (D, NG), dtype=jnp.float32) * 0.05
    inp["genre_b"] = jnp.zeros((D,), dtype=jnp.float32)
    inp["W0"] = jax.random.normal(ks[8], (H[0], 3 * D), dtype=jnp.float32) * 0.05
    inp["b0"] = jnp.zeros((H[0],), dtype=jnp.float32)
    inp["W1"] = jax.random.normal(ks[9], (H[1], H[0]), dtype=jnp.float32) * 0.05
    inp["b1"] = jnp.zeros((H[1],), dtype=jnp.float32)
    inp["W2"] = jax.random.normal(ks[10], (H[2], H[1]), dtype=jnp.float32) * 0.05
    inp["b2"] = jnp.zeros((H[2],), dtype=jnp.float32)
    inp["Wo"] = jax.random.normal(ks[11], (1, H[2]), dtype=jnp.float32) * 0.05
    inp["bo"] = jnp.zeros((1,), dtype=jnp.float32)
    return inp


def reference(user_ids, movie_ids, genres, user_emb, movie_emb, user_bias,
              movie_bias, genre_W, genre_b, W0, b0, W1, b1, W2, b2, Wo, bo):
    ue = jnp.take(user_emb, user_ids, axis=0)
    me = jnp.take(movie_emb, movie_ids, axis=0)
    ub = jnp.take(user_bias, user_ids, axis=0)[:, 0]
    mb = jnp.take(movie_bias, movie_ids, axis=0)[:, 0]
    gf = jax.nn.relu(genres @ genre_W.T + genre_b)
    x = jnp.concatenate([ue, me, gf], axis=1)
    x = jax.nn.relu(x @ W0.T + b0)
    x = jax.nn.relu(x @ W1.T + b1)
    x = jax.nn.relu(x @ W2.T + b2)
    base = (x @ Wo.T + bo)[:, 0]
    final = base + ub + mb
    prediction = jax.nn.sigmoid(final) * 5.0
    return prediction

if __name__ == "__main__":
    import jax
    _d = setup_inputs()
    print(jax.jit(kernel)(*tuple(_d.values())))

</pallas_src>

<mosaic_0001>
#map = affine_map<(d0, d1) -> (0)>
#map1 = affine_map<(d0, d1) -> (0, 0)>
module attributes {stable_mosaic.version = 14 : i64} {
  func.func @_sc_gather_body(%arg0: i32, %arg1: i32, %arg2: memref<16384xi32, #tpu.memory_space<hbm>>, %arg3: memref<16384xi32, #tpu.memory_space<hbm>>, %arg4: memref<500000x128xf32, #tpu.memory_space<hbm>>, %arg5: memref<50000x128xf32, #tpu.memory_space<hbm>>, %arg6: memref<16384x128xf32, #tpu.memory_space<hbm>>, %arg7: memref<16384x128xf32, #tpu.memory_space<hbm>>, %arg8: memref<512xi32, #tpu.memory_space<vmem>>, %arg9: memref<512xi32, #tpu.memory_space<vmem>>, %arg10: memref<512xi32, #tpu.memory_space<vmem>>, %arg11: memref<512xi32, #tpu.memory_space<vmem>>, %arg12: memref<256x128xf32, #tpu.memory_space<vmem>>, %arg13: memref<256x128xf32, #tpu.memory_space<vmem>>, %arg14: memref<!tpu.dma_semaphore, #tpu.memory_space<semaphore_mem>>, %arg15: memref<!tpu.dma_semaphore, #tpu.memory_space<semaphore_mem>>) attributes {dimension_semantics = [#tpu.dimension_semantics<core_parallel>, #tpu.dimension_semantics<subcore_parallel>], iteration_bounds = array<i64: 2, 16>, scalar_prefetch = 0 : i64, scratch_operands = 8 : i64, tpu.core_type = #tpu.core_type<sc_vector_subcore>, window_params = [{transform_indices = #map}, {transform_indices = #map}, {transform_indices = #map1}, {transform_indices = #map1}, {transform_indices = #map1}, {transform_indices = #map1}]} {
    %mul3A = arith.constant 2 : i32
    %mul3A_0 = arith.muli %arg1, %mul3A : i32
    %add3A = arith.addi %mul3A_0, %arg0 : i32
    %mul3A_1 = arith.constant 512 : i32
    %mul3A_2 = arith.muli %add3A, %mul3A_1 : i32
    "tpu.region"() ({
      %run_scoped3A = tpu.sem_alloc : memref<!tpu.dma_semaphore, #tpu.memory_space<semaphore_mem>>
      %dma_start3A_55 = tpu.memref_slice %arg2[%mul3A_2] : memref<16384xi32, #tpu.memory_space<hbm>> -> memref<512xi32, #tpu.memory_space<hbm>>
      %dma_start3A_56 = tpu.memref_slice %arg2[%mul3A_2] : memref<16384xi32, #tpu.memory_space<hbm>> -> memref<512xi32, #tpu.memory_space<hbm>>
      tpu.enqueue_dma source(%dma_start3A_56 : memref<512xi32, #tpu.memory_space<hbm>>) target(%arg8 : memref<512xi32, #tpu.memory_space<vmem>>) target_semaphore(%run_scoped3A : memref<!tpu.dma_semaphore, #tpu.memory_space<semaphore_mem>>)
      %dma_wait3A_57 = tpu.memref_slice %arg2[%mul3A_2] : memref<16384xi32, #tpu.memory_space<hbm>> -> memref<512xi32, #tpu.memory_space<hbm>>
      %dma_wait3A_58 = tpu.memref_slice %arg2[%mul3A_2] : memref<16384xi32, #tpu.memory_space<hbm>> -> memref<512xi32, #tpu.memory_space<hbm>>
      tpu.wait_dma2 semaphore(%run_scoped3A : memref<!tpu.dma_semaphore, #tpu.memory_space<semaphore_mem>>) src(%dma_wait3A_58 : memref<512xi32, #tpu.memory_space<hbm>>) dst(%arg8 : memref<512xi32, #tpu.memory_space<vmem>>)
      tpu.yield
    }) : () -> ()
    "tpu.region"() ({
      %run_scoped3A = tpu.sem_alloc : memref<!tpu.dma_semaphore, #tpu.memory_space<semaphore_mem>>
      %dma_start3A_55 = tpu.memref_slice %arg3[%mul3A_2] : memref<16384xi32, #tpu.memory_space<hbm>> -> memref<512xi32, #tpu.memory_space<hbm>>
      %dma_start3A_56 = tpu.memref_slice %arg3[%mul3A_2] : memref<16384xi32, #tpu.memory_space<hbm>> -> memref<512xi32, #tpu.memory_space<hbm>>
      tpu.enqueue_dma source(%dma_start3A_56 : memref<512xi32, #tpu.memory_space<hbm>>) target(%arg9 : memref<512xi32, #tpu.memory_space<vmem>>) target_semaphore(%run_scoped3A : memref<!tpu.dma_semaphore, #tpu.memory_space<semaphore_mem>>)
      %dma_wait3A_57 = tpu.memref_slice %arg3[%mul3A_2] : memref<16384xi32, #tpu.memory_space<hbm>> -> memref<512xi32, #tpu.memory_space<hbm>>
      %dma_wait3A_58 = tpu.memref_slice %arg3[%mul3A_2] : memref<16384xi32, #tpu.memory_space<hbm>> -> memref<512xi32, #tpu.memory_space<hbm>>
      tpu.wait_dma2 semaphore(%run_scoped3A : memref<!tpu.dma_semaphore, #tpu.memory_space<semaphore_mem>>) src(%dma_wait3A_58 : memref<512xi32, #tpu.memory_space<hbm>>) dst(%arg9 : memref<512xi32, #tpu.memory_space<vmem>>)
      tpu.yield
    }) : () -> ()
    %scan3A = arith.constant 0 : i32
    %scan3A_3 = arith.constant 0 : i32
    %scan3A_4 = arith.constant 32 : i32
    %scan3A_5 = arith.addi %scan3A_3, %scan3A_4 : i32
    %scan3A_6 = arith.constant 1 : i32
    %scan3A_7 = scf.for %scan3A_55 = %scan3A_3 to %scan3A_5 step %scan3A_6 iter_args(%scan3A_56 = %scan3A) -> (i32)  : i32 {
      %mul3A_57 = arith.constant 16 : i32
      %mul3A_58 = arith.muli %scan3A_55, %mul3A_57 : i32
      %get3A = arith.index_cast %mul3A_58 : i32 to index
      %get3A_59 = tpu.vector_load %arg8[%get3A] {strides = array<i32>} : memref<512xi32, #tpu.memory_space<vmem>>, vector<16xi32>,
      %shift_right_logical3A = arith.constant 1 : i32
      %shift_right_logical3A_60 = vector.broadcast %shift_right_logical3A : i32 to vector<16xi32>
      %shift_right_logical3A_61 = arith.shrui %get3A_59, %shift_right_logical3A_60 : vector<16xi32>
      %swap3A = arith.index_cast %mul3A_58 : i32 to index
      %swap3A_62 = tpu.vector_load %arg10[%swap3A] {strides = array<i32>} : memref<512xi32, #tpu.memory_space<vmem>>, vector<16xi32>,
      tpu.vector_store %arg10[%swap3A], %shift_right_logical3A_61 {strides = array<i32>} : memref<512xi32, #tpu.memory_space<vmem>>, vector<16xi32>,
      %get3A_63 = arith.index_cast %mul3A_58 : i32 to index
      %get3A_64 = tpu.vector_load %arg9[%get3A_63] {strides = array<i32>} : memref<512xi32, #tpu.memory_space<vmem>>, vector<16xi32>,
      %shift_right_logical3A_65 = arith.constant 1 : i32
      %shift_right_logical3A_66 = vector.broadcast %shift_right_logical3A_65 : i32 to vector<16xi32>
      %shift_right_logical3A_67 = arith.shrui %get3A_64, %shift_right_logical3A_66 : vector<16xi32>
      %swap3A_68 = arith.index_cast %mul3A_58 : i32 to index
      %swap3A_69 = tpu.vector_load %arg11[%swap3A_68] {strides = array<i32>} : memref<512xi32, #tpu.memory_space<vmem>>, vector<16xi32>,
      tpu.vector_store %arg11[%swap3A_68], %shift_right_logical3A_67 {strides = array<i32>} : memref<512xi32, #tpu.memory_space<vmem>>, vector<16xi32>,
      %scan3A_70 = arith.constant 0 : i32
      scf.yield %scan3A_70 : i32
    }
    %scan3A_8 = arith.constant 32 : i32
    %dma_start3A = arith.constant 0 : i32
    %dma_start3A_9 = tpu.memref_slice %arg10[%dma_start3A] : memref<512xi32, #tpu.memory_space<vmem>> -> memref<256xi32, #tpu.memory_space<vmem>>
    %dma_start3A_10 = arith.constant 0 : i32
    %dma_start3A_11 = arith.constant 0 : i32
    %dma_start3A_12 = tpu.memref_slice %arg4[%dma_start3A_10, %dma_start3A_11] : memref<500000x128xf32, #tpu.memory_space<hbm>> -> memref<500000x128xf32, #tpu.memory_space<hbm>>
    tpu.enqueue_indirect_dma source(%dma_start3A_12 : memref<500000x128xf32, #tpu.memory_space<hbm>>) target(%arg12 : memref<256x128xf32, #tpu.memory_space<vmem>>) offsets(%dma_start3A_9 : memref<256xi32, #tpu.memory_space<vmem>>) semaphore(%arg14 : memref<!tpu.dma_semaphore, #tpu.memory_space<semaphore_mem>>)
    %dma_start3A_13 = arith.constant 0 : i32
    %dma_start3A_14 = tpu.memref_slice %arg11[%dma_start3A_13] : memref<512xi32, #tpu.memory_space<vmem>> -> memref<256xi32, #tpu.memory_space<vmem>>
    %dma_start3A_15 = arith.constant 0 : i32
    %dma_start3A_16 = arith.constant 0 : i32
    %dma_start3A_17 = tpu.memref_slice %arg5[%dma_start3A_15, %dma_start3A_16] : memref<50000x128xf32, #tpu.memory_space<hbm>> -> memref<50000x128xf32, #tpu.memory_space<hbm>>
    tpu.enqueue_indirect_dma source(%dma_start3A_17 : memref<50000x128xf32, #tpu.memory_space<hbm>>) target(%arg13 : memref<256x128xf32, #tpu.memory_space<vmem>>) offsets(%dma_start3A_14 : memref<256xi32, #tpu.memory_space<vmem>>) semaphore(%arg15 : memref<!tpu.dma_semaphore, #tpu.memory_space<semaphore_mem>>)
    %dma_wait3A = arith.constant 0 : i32
    %dma_wait3A_18 = tpu.memref_slice %arg10[%dma_wait3A] : memref<512xi32, #tpu.memory_space<vmem>> -> memref<256xi32, #tpu.memory_space<vmem>>
    %dma_wait3A_19 = arith.constant 0 : i32
    %dma_wait3A_20 = arith.constant 0 : i32
    %dma_wait3A_21 = tpu.memref_slice %arg4[%dma_wait3A_19, %dma_wait3A_20] : memref<500000x128xf32, #tpu.memory_space<hbm>> -> memref<500000x128xf32, #tpu.memory_space<hbm>>
    tpu.wait_indirect_dma semaphore(%arg14 : memref<!tpu.dma_semaphore, #tpu.memory_space<semaphore_mem>>) src(%dma_wait3A_21 : memref<500000x128xf32, #tpu.memory_space<hbm>>) dst(%arg12 : memref<256x128xf32, #tpu.memory_space<vmem>>)
    %add3A_22 = arith.constant 0 : i32
    %add3A_23 = arith.addi %mul3A_2, %add3A_22 : i32
    "tpu.region"() ({
      %run_scoped3A = tpu.sem_alloc : memref<!tpu.dma_semaphore, #tpu.memory_space<semaphore_mem>>
      %dma_start3A_55 = arith.constant 0 : i32
      %dma_start3A_56 = tpu.memref_slice %arg6[%add3A_23, %dma_start3A_55] : memref<16384x128xf32, #tpu.memory_space<hbm>> -> memref<256x128xf32, #tpu.memory_space<hbm>>
      %dma_start3A_57 = arith.constant 0 : i32
      %dma_start3A_58 = tpu.memref_slice %arg6[%add3A_23, %dma_start3A_57] : memref<16384x128xf32, #tpu.memory_space<hbm>> -> memref<256x128xf32, #tpu.memory_space<hbm>>
      tpu.enqueue_dma source(%arg12 : memref<256x128xf32, #tpu.memory_space<vmem>>) target(%dma_start3A_58 : memref<256x128xf32, #tpu.memory_space<hbm>>) target_semaphore(%run_scoped3A : memref<!tpu.dma_semaphore, #tpu.memory_space<semaphore_mem>>)
      %dma_wait3A_59 = arith.constant 0 : i32
      %dma_wait3A_60 = tpu.memref_slice %arg6[%add3A_23, %dma_wait3A_59] : memref<16384x128xf32, #tpu.memory_space<hbm>> -> memref<256x128xf32, #tpu.memory_space<hbm>>
      %dma_wait3A_61 = arith.constant 0 : i32
      %dma_wait3A_62 = tpu.memref_slice %arg6[%add3A_23, %dma_wait3A_61] : memref<16384x128xf32, #tpu.memory_space<hbm>> -> memref<256x128xf32, #tpu.memory_space<hbm>>
      tpu.wait_dma2 semaphore(%run_scoped3A : memref<!tpu.dma_semaphore, #tpu.memory_space<semaphore_mem>>) src(%arg12 : memref<256x128xf32, #tpu.memory_space<vmem>>) dst(%dma_wait3A_62 : memref<256x128xf32, #tpu.memory_space<hbm>>)
      tpu.yield
    }) : () -> ()
    %dma_wait3A_24 = arith.constant 0 : i32
    %dma_wait3A_25 = tpu.memref_slice %arg11[%dma_wait3A_24] : memref<512xi32, #tpu.memory_space<vmem>> -> memref<256xi32, #tpu.memory_space<vmem>>
    %dma_wait3A_26 = arith.constant 0 : i32
    %dma_wait3A_27 = arith.constant 0 : i32
    %dma_wait3A_28 = tpu.memref_slice %arg5[%dma_wait3A_26, %dma_wait3A_27] : memref<50000x128xf32, #tpu.memory_space<hbm>> -> memref<50000x128xf32, #tpu.memory_space<hbm>>
    tpu.wait_indirect_dma semaphore(%arg15 : memref<!tpu.dma_semaphore, #tpu.memory_space<semaphore_mem>>) src(%dma_wait3A_28 : memref<50000x128xf32, #tpu.memory_space<hbm>>) dst(%arg13 : memref<256x128xf32, #tpu.memory_space<vmem>>)
    %add3A_29 = arith.constant 0 : i32
    %add3A_30 = arith.addi %mul3A_2, %add3A_29 : i32
    "tpu.region"() ({
      %run_scoped3A = tpu.sem_alloc : memref<!tpu.dma_semaphore, #tpu.memory_space<semaphore_mem>>
      %dma_start3A_55 = arith.constant 0 : i32
      %dma_start3A_56 = tpu.memref_slice %arg7[%add3A_30, %dma_start3A_55] : memref<16384x128xf32, #tpu.memory_space<hbm>> -> memref<256x128xf32, #tpu.memory_space<hbm>>
      %dma_start3A_57 = arith.constant 0 : i32
      %dma_start3A_58 = tpu.memref_slice %arg7[%add3A_30, %dma_start3A_57] : memref<16384x128xf32, #tpu.memory_space<hbm>> -> memref<256x128xf32, #tpu.memory_space<hbm>>
      tpu.enqueue_dma source(%arg13 : memref<256x128xf32, #tpu.memory_space<vmem>>) target(%dma_start3A_58 : memref<256x128xf32, #tpu.memory_space<hbm>>) target_semaphore(%run_scoped3A : memref<!tpu.dma_semaphore, #tpu.memory_space<semaphore_mem>>)
      %dma_wait3A_59 = arith.constant 0 : i32
      %dma_wait3A_60 = tpu.memref_slice %arg7[%add3A_30, %dma_wait3A_59] : memref<16384x128xf32, #tpu.memory_space<hbm>> -> memref<256x128xf32, #tpu.memory_space<hbm>>
      %dma_wait3A_61 = arith.constant 0 : i32
      %dma_wait3A_62 = tpu.memref_slice %arg7[%add3A_30, %dma_wait3A_61] : memref<16384x128xf32, #tpu.memory_space<hbm>> -> memref<256x128xf32, #tpu.memory_space<hbm>>
      tpu.wait_dma2 semaphore(%run_scoped3A : memref<!tpu.dma_semaphore, #tpu.memory_space<semaphore_mem>>) src(%arg13 : memref<256x128xf32, #tpu.memory_space<vmem>>) dst(%dma_wait3A_62 : memref<256x128xf32, #tpu.memory_space<hbm>>)
      tpu.yield
    }) : () -> ()
    %dma_start3A_31 = arith.constant 256 : i32
    %dma_start3A_32 = tpu.memref_slice %arg10[%dma_start3A_31] : memref<512xi32, #tpu.memory_space<vmem>> -> memref<256xi32, #tpu.memory_space<vmem>>
    %dma_start3A_33 = arith.constant 0 : i32
    %dma_start3A_34 = arith.constant 0 : i32
    %dma_start3A_35 = tpu.memref_slice %arg4[%dma_start3A_33, %dma_start3A_34] : memref<500000x128xf32, #tpu.memory_space<hbm>> -> memref<500000x128xf32, #tpu.memory_space<hbm>>
    tpu.enqueue_indirect_dma source(%dma_start3A_35 : memref<500000x128xf32, #tpu.memory_space<hbm>>) target(%arg12 : memref<256x128xf32, #tpu.memory_space<vmem>>) offsets(%dma_start3A_32 : memref<256xi32, #tpu.memory_space<vmem>>) semaphore(%arg14 : memref<!tpu.dma_semaphore, #tpu.memory_space<semaphore_mem>>)
    %dma_start3A_36 = arith.constant 256 : i32
    %dma_start3A_37 = tpu.memref_slice %arg11[%dma_start3A_36] : memref<512xi32, #tpu.memory_space<vmem>> -> memref<256xi32, #tpu.memory_space<vmem>>
    %dma_start3A_38 = arith.constant 0 : i32
    %dma_start3A_39 = arith.constant 0 : i32
    %dma_start3A_40 = tpu.memref_slice %arg5[%dma_start3A_38, %dma_start3A_39] : memref<50000x128xf32, #tpu.memory_space<hbm>> -> memref<50000x128xf32, #tpu.memory_space<hbm>>
    tpu.enqueue_indirect_dma source(%dma_start3A_40 : memref<50000x128xf32, #tpu.memory_space<hbm>>) target(%arg13 : memref<256x128xf32, #tpu.memory_space<vmem>>) offsets(%dma_start3A_37 : memref<256xi32, #tpu.memory_space<vmem>>) semaphore(%arg15 : memref<!tpu.dma_semaphore, #tpu.memory_space<semaphore_mem>>)
    %dma_wait3A_41 = arith.constant 256 : i32
    %dma_wait3A_42 = tpu.memref_slice %arg10[%dma_wait3A_41] : memref<512xi32, #tpu.memory_space<vmem>> -> memref<256xi32, #tpu.memory_space<vmem>>
    %dma_wait3A_43 = arith.constant 0 : i32
    %dma_wait3A_44 = arith.constant 0 : i32
    %dma_wait3A_45 = tpu.memref_slice %arg4[%dma_wait3A_43, %dma_wait3A_44] : memref<500000x128xf32, #tpu.memory_space<hbm>> -> memref<500000x128xf32, #tpu.memory_space<hbm>>
    tpu.wait_indirect_dma semaphore(%arg14 : memref<!tpu.dma_semaphore, #tpu.memory_space<semaphore_mem>>) src(%dma_wait3A_45 : memref<500000x128xf32, #tpu.memory_space<hbm>>) dst(%arg12 : memref<256x128xf32, #tpu.memory_space<vmem>>)
    %add3A_46 = arith.constant 256 : i32
    %add3A_47 = arith.addi %mul3A_2, %add3A_46 : i32
    "tpu.region"() ({
      %run_scoped3A = tpu.sem_alloc : memref<!tpu.dma_semaphore, #tpu.memory_space<semaphore_mem>>
      %dma_start3A_55 = arith.constant 0 : i32
      %dma_start3A_56 = tpu.memref_slice %arg6[%add3A_47, %dma_start3A_55] : memref<16384x128xf32, #tpu.memory_space<hbm>> -> memref<256x128xf32, #tpu.memory_space<hbm>>
      %dma_start3A_57 = arith.constant 0 : i32
      %dma_start3A_58 = tpu.memref_slice %arg6[%add3A_47, %dma_start3A_57] : memref<16384x128xf32, #tpu.memory_space<hbm>> -> memref<256x128xf32, #tpu.memory_space<hbm>>
      tpu.enqueue_dma source(%arg12 : memref<256x128xf32, #tpu.memory_space<vmem>>) target(%dma_start3A_58 : memref<256x128xf32, #tpu.memory_space<hbm>>) target_semaphore(%run_scoped3A : memref<!tpu.dma_semaphore, #tpu.memory_space<semaphore_mem>>)
      %dma_wait3A_59 = arith.constant 0 : i32
      %dma_wait3A_60 = tpu.memref_slice %arg6[%add3A_47, %dma_wait3A_59] : memref<16384x128xf32, #tpu.memory_space<hbm>> -> memref<256x128xf32, #tpu.memory_space<hbm>>
      %dma_wait3A_61 = arith.constant 0 : i32
      %dma_wait3A_62 = tpu.memref_slice %arg6[%add3A_47, %dma_wait3A_61] : memref<16384x128xf32, #tpu.memory_space<hbm>> -> memref<256x128xf32, #tpu.memory_space<hbm>>
      tpu.wait_dma2 semaphore(%run_scoped3A : memref<!tpu.dma_semaphore, #tpu.memory_space<semaphore_mem>>) src(%arg12 : memref<256x128xf32, #tpu.memory_space<vmem>>) dst(%dma_wait3A_62 : memref<256x128xf32, #tpu.memory_space<hbm>>)
      tpu.yield
    }) : () -> ()
    %dma_wait3A_48 = arith.constant 256 : i32
    %dma_wait3A_49 = tpu.memref_slice %arg11[%dma_wait3A_48] : memref<512xi32, #tpu.memory_space<vmem>> -> memref<256xi32, #tpu.memory_space<vmem>>
    %dma_wait3A_50 = arith.constant 0 : i32
    %dma_wait3A_51 = arith.constant 0 : i32
    %dma_wait3A_52 = tpu.memref_slice %arg5[%dma_wait3A_50, %dma_wait3A_51] : memref<50000x128xf32, #tpu.memory_space<hbm>> -> memref<50000x128xf32, #tpu.memory_space<hbm>>
    tpu.wait_indirect_dma semaphore(%arg15 : memref<!tpu.dma_semaphore, #tpu.memory_space<semaphore_mem>>) src(%dma_wait3A_52 : memref<50000x128xf32, #tpu.memory_space<hbm>>) dst(%arg13 : memref<256x128xf32, #tpu.memory_space<vmem>>)
    %add3A_53 = arith.constant 256 : i32
    %add3A_54 = arith.addi %mul3A_2, %add3A_53 : i32
    "tpu.region"() ({
      %run_scoped3A = tpu.sem_alloc : memref<!tpu.dma_semaphore, #tpu.memory_space<semaphore_mem>>
      %dma_start3A_55 = arith.constant 0 : i32
      %dma_start3A_56 = tpu.memref_slice %arg7[%add3A_54, %dma_start3A_55] : memref<16384x128xf32, #tpu.memory_space<hbm>> -> memref<256x128xf32, #tpu.memory_space<hbm>>
      %dma_start3A_57 = arith.constant 0 : i32
      %dma_start3A_58 = tpu.memref_slice %arg7[%add3A_54, %dma_start3A_57] : memref<16384x128xf32, #tpu.memory_space<hbm>> -> memref<256x128xf32, #tpu.memory_space<hbm>>
      tpu.enqueue_dma source(%arg13 : memref<256x128xf32, #tpu.memory_space<vmem>>) target(%dma_start3A_58 : memref<256x128xf32, #tpu.memory_space<hbm>>) target_semaphore(%run_scoped3A : memref<!tpu.dma_semaphore, #tpu.memory_space<semaphore_mem>>)
      %dma_wait3A_59 = arith.constant 0 : i32
      %dma_wait3A_60 = tpu.memref_slice %arg7[%add3A_54, %dma_wait3A_59] : memref<16384x128xf32, #tpu.memory_space<hbm>> -> memref<256x128xf32, #tpu.memory_space<hbm>>
      %dma_wait3A_61 = arith.constant 0 : i32
      %dma_wait3A_62 = tpu.memref_slice %arg7[%add3A_54, %dma_wait3A_61] : memref<16384x128xf32, #tpu.memory_space<hbm>> -> memref<256x128xf32, #tpu.memory_space<hbm>>
      tpu.wait_dma2 semaphore(%run_scoped3A : memref<!tpu.dma_semaphore, #tpu.memory_space<semaphore_mem>>) src(%arg13 : memref<256x128xf32, #tpu.memory_space<vmem>>) dst(%dma_wait3A_62 : memref<256x128xf32, #tpu.memory_space<hbm>>)
      tpu.yield
    }) : () -> ()
    return
  }
}

module attributes {stable_mosaic.version = 14 : i64} {
  func.func @_mlp_body(%arg0: i32, %arg1: memref<2048x26xf32, #tpu.memory_space<vmem>>, %arg2: memref<2048x128xf32, #tpu.memory_space<vmem>>, %arg3: memref<2048x128xf32, #tpu.memory_space<vmem>>, %arg4: memref<2048xi32, #tpu.memory_space<vmem>>, %arg5: memref<2048xi32, #tpu.memory_space<vmem>>, %arg6: memref<2048xf32, #tpu.memory_space<vmem>>, %arg7: memref<26x64xf32, #tpu.memory_space<vmem>>, %arg8: memref<1x64xf32, #tpu.memory_space<vmem>>, %arg9: memref<64x128xf32, #tpu.memory_space<vmem>>, %arg10: memref<64x128xf32, #tpu.memory_space<vmem>>, %arg11: memref<64x128xf32, #tpu.memory_space<vmem>>, %arg12: memref<1x128xf32, #tpu.memory_space<vmem>>, %arg13: memref<128x64xf32, #tpu.memory_space<vmem>>, %arg14: memref<1x64xf32, #tpu.memory_space<vmem>>, %arg15: memref<64x32xf32, #tpu.memory_space<vmem>>, %arg16: memref<1x32xf32, #tpu.memory_space<vmem>>, %arg17: memref<1x32xf32, #tpu.memory_space<vmem>>, %arg18: memref<1x1xf32, #tpu.memory_space<vmem>>, %arg19: memref<2048xf32, #tpu.memory_space<vmem>>) attributes {dimension_semantics = [#tpu.dimension_semantics<arbitrary>], iteration_bounds = array<i64: 8>, scalar_prefetch = 0 : i64, scratch_operands = 0 : i64, tpu.core_type = #tpu.core_type<tc>, window_params = [{transform_indices = @transform_0, window_bounds = array<i64: 2048, 26>}, {transform_indices = @transform_1, window_bounds = array<i64: 2048, 128>}, {transform_indices = @transform_2, window_bounds = array<i64: 2048, 128>}, {transform_indices = @transform_3, window_bounds = array<i64: 2048>}, {transform_indices = @transform_4, window_bounds = array<i64: 2048>}, {transform_indices = @transform_5, window_bounds = array<i64: 2048>}, {pipeline_mode = #tpu.pipeline_mode<synchronous>, transform_indices = @transform_6, window_bounds = array<i64: 26, 64>}, {pipeline_mode = #tpu.pipeline_mode<synchronous>, transform_indices = @transform_7, window_bounds = array<i64: 1, 64>}, {pipeline_mode = #tpu.pipeline_mode<synchronous>, transform_indices = @transform_8, window_bounds = array<i64: 64, 128>}, {pipeline_mode = #tpu.pipeline_mode<synchronous>, transform_indices = @transform_9, window_bounds = array<i64: 64, 128>}, {pipeline_mode = #tpu.pipeline_mode<synchronous>, transform_indices = @transform_10, window_bounds = array<i64: 64, 128>}, {pipeline_mode = #tpu.pipeline_mode<synchronous>, transform_indices = @transform_11, window_bounds = array<i64: 1, 128>}, {pipeline_mode = #tpu.pipeline_mode<synchronous>, transform_indices = @transform_12, window_bounds = array<i64: 128, 64>}, {pipeline_mode = #tpu.pipeline_mode<synchronous>, transform_indices = @transform_13, window_bounds = array<i64: 1, 64>}, {pipeline_mode = #tpu.pipeline_mode<synchronous>, transform_indices = @transform_14, window_bounds = array<i64: 64, 32>}, {pipeline_mode = #tpu.pipeline_mode<synchronous>, transform_indices = @transform_15, window_bounds = array<i64: 1, 32>}, {pipeline_mode = #tpu.pipeline_mode<synchronous>, transform_indices = @transform_16, window_bounds = array<i64: 1, 32>}, {pipeline_mode = #tpu.pipeline_mode<synchronous>, transform_indices = @transform_17, window_bounds = array<i64: 1, 1>}, {transform_indices = @transform_18, window_bounds = array<i64: 2048>}]} {
    %get3A = arith.constant 0 : index
    %get3A_0 = vector.load %arg4[%get3A] : memref<2048xi32, #tpu.memory_space<vmem>>, vector<2048xi32>
    %and3A = arith.constant 1 : i32
    %and3A_1 = vector.broadcast %and3A : i32 to vector<2048xi32>
    %and3A_2 = arith.andi %get3A_0, %and3A_1 : vector<2048xi32>
    %broadcast_in_dim3A = vector.shape_cast %and3A_2 : vector<2048xi32> to vector<2048x1xi32>
    %get3A_3 = arith.constant 0 : index
    %get3A_4 = vector.load %arg5[%get3A_3] : memref<2048xi32, #tpu.memory_space<vmem>>, vector<2048xi32>
    %and3A_5 = arith.constant 1 : i32
    %and3A_6 = vector.broadcast %and3A_5 : i32 to vector<2048xi32>
    %and3A_7 = arith.andi %get3A_4, %and3A_6 : vector<2048xi32>
    %broadcast_in_dim3A_8 = vector.shape_cast %and3A_7 : vector<2048xi32> to vector<2048x1xi32>
    %eq3A = arith.constant 1 : i32
    %eq3A_9 = vector.broadcast %eq3A : i32 to vector<2048x1xi32>
    %eq3A_10 = arith.cmpi eq, %broadcast_in_dim3A, %eq3A_9 : vector<2048x1xi32>
    %get3A_11 = arith.constant 0 : index
    %get3A_12 = arith.constant 64 : index
    %get3A_13 = vector.load %arg2[%get3A_11, %get3A_12] : memref<2048x128xf32, #tpu.memory_space<vmem>>, vector<2048x64xf32>
    %get3A_14 = arith.constant 0 : index
    %get3A_15 = arith.constant 0 : index
    %get3A_16 = vector.load %arg2[%get3A_14, %get3A_15] : memref<2048x128xf32, #tpu.memory_space<vmem>>, vector<2048x64xf32>
    %broadcast_in_dim3A_17 = vector.shape_cast %eq3A_10 : vector<2048x1xi1> to vector<2048x1xi1>
    %broadcast_in_dim3A_18 = vector.broadcast %broadcast_in_dim3A_17 : vector<2048x1xi1> to vector<2048x64xi1>
    %select_n3A = arith.select %broadcast_in_dim3A_18, %get3A_13, %get3A_16 : vector<2048x64xi1>, vector<2048x64xf32>
    %eq3A_19 = arith.constant 1 : i32
    %eq3A_20 = vector.broadcast %eq3A_19 : i32 to vector<2048x1xi32>
    %eq3A_21 = arith.cmpi eq, %broadcast_in_dim3A_8, %eq3A_20 : vector<2048x1xi32>
    %get3A_22 = arith.constant 0 : index
    %get3A_23 = arith.constant 64 : index
    %get3A_24 = vector.load %arg3[%get3A_22, %get3A_23] : memref<2048x128xf32, #tpu.memory_space<vmem>>, vector<2048x64xf32>
    %get3A_25 = arith.constant 0 : index
    %get3A_26 = arith.constant 0 : index
    %get3A_27 = vector.load %arg3[%get3A_25, %get3A_26] : memref<2048x128xf32, #tpu.memory_space<vmem>>, vector<2048x64xf32>
    %broadcast_in_dim3A_28 = vector.shape_cast %eq3A_21 : vector<2048x1xi1> to vector<2048x1xi1>
    %broadcast_in_dim3A_29 = vector.broadcast %broadcast_in_dim3A_28 : vector<2048x1xi1> to vector<2048x64xi1>
    %select_n3A_30 = arith.select %broadcast_in_dim3A_29, %get3A_24, %get3A_27 : vector<2048x64xi1>, vector<2048x64xf32>
    %get3A_31 = arith.constant 0 : index
    %get3A_32 = arith.constant 0 : index
    %get3A_33 = vector.load %arg1[%get3A_31, %get3A_32] : memref<2048x26xf32, #tpu.memory_space<vmem>>, vector<2048x26xf32>
    %get3A_34 = arith.constant 0 : index
    %get3A_35 = arith.constant 0 : index
    %get3A_36 = vector.load %arg7[%get3A_34, %get3A_35] : memref<26x64xf32, #tpu.memory_space<vmem>>, vector<26x64xf32>
    %dot_general3A = arith.constant dense<0.000000e+00> : vector<2048x64xf32>
    %dot_general3A_37 = tpu.matmul %get3A_33, %get3A_36, %dot_general3A {dimension_numbers = #tpu.dot_dimension_numbers<[1], [0], [0], [1], [0, 0, 1, 1], [], []>, transpose_lhs_hint = false} : vector<2048x26xf32>, vector<26x64xf32>, vector<2048x64xf32> -> vector<2048x64xf32>
    %get3A_38 = arith.constant 0 : index
    %get3A_39 = arith.constant 0 : index
    %get3A_40 = vector.load %arg8[%get3A_38, %get3A_39] : memref<1x64xf32, #tpu.memory_space<vmem>>, vector<1x64xf32>
    %add3A = vector.broadcast %get3A_40 : vector<1x64xf32> to vector<2048x64xf32>
    %add3A_41 = arith.addf %dot_general3A_37, %add3A : vector<2048x64xf32>
    %max3A = arith.constant 0.000000e+00 : f32
    %max3A_42 = vector.broadcast %max3A : f32 to vector<2048x64xf32>
    %max3A_43 = arith.maximumf %add3A_41, %max3A_42 : vector<2048x64xf32>
    %get3A_44 = arith.constant 0 : index
    %get3A_45 = arith.constant 0 : index
    %get3A_46 = vector.load %arg9[%get3A_44, %get3A_45] : memref<64x128xf32, #tpu.memory_space<vmem>>, vector<64x128xf32>
    %dot_general3A_47 = arith.constant dense<0.000000e+00> : vector<2048x128xf32>
    %dot_general3A_48 = tpu.matmul %select_n3A, %get3A_46, %dot_general3A_47 {dimension_numbers = #tpu.dot_dimension_numbers<[1], [0], [0], [1], [0, 0, 1, 1], [], []>, transpose_lhs_hint = false} : vector<2048x64xf32>, vector<64x128xf32>, vector<2048x128xf32> -> vector<2048x128xf32>
    %get3A_49 = arith.constant 0 : index
    %get3A_50 = arith.constant 0 : index
    %get3A_51 = vector.load %arg10[%get3A_49, %get3A_50] : memref<64x128xf32, #tpu.memory_space<vmem>>, vector<64x128xf32>
    %dot_general3A_52 = arith.constant dense<0.000000e+00> : vector<2048x128xf32>
    %dot_general3A_53 = tpu.matmul %select_n3A_30, %get3A_51, %dot_general3A_52 {dimension_numbers = #tpu.dot_dimension_numbers<[1], [0], [0], [1], [0, 0, 1, 1], [], []>, transpose_lhs_hint = false} : vector<2048x64xf32>, vector<64x128xf32>, vector<2048x128xf32> -> vector<2048x128xf32>
    %add3A_54 = arith.addf %dot_general3A_48, %dot_general3A_53 : vector<2048x128xf32>
    %get3A_55 = arith.constant 0 : index
    %get3A_56 = arith.constant 0 : index
    %get3A_57 = vector.load %arg11[%get3A_55, %get3A_56] : memref<64x128xf32, #tpu.memory_space<vmem>>, vector<64x128xf32>
    %dot_general3A_58 = arith.constant dense<0.000000e+00> : vector<2048x128xf32>
    %dot_general3A_59 = tpu.matmul %max3A_43, %get3A_57, %dot_general3A_58 {dimension_numbers = #tpu.dot_dimension_numbers<[1], [0], [0], [1], [0, 0, 1, 1], [], []>, transpose_lhs_hint = false} : vector<2048x64xf32>, vector<64x128xf32>, vector<2048x128xf32> -> vector<2048x128xf32>
    %add3A_60 = arith.addf %add3A_54, %dot_general3A_59 : vector<2048x128xf32>
    %get3A_61 = arith.constant 0 : index
    %get3A_62 = arith.constant 0 : index
    %get3A_63 = vector.load %arg12[%get3A_61, %get3A_62] : memref<1x128xf32, #tpu.memory_space<vmem>>, vector<1x128xf32>
    %add3A_64 = vector.broadcast %get3A_63 : vector<1x128xf32> to vector<2048x128xf32>
    %add3A_65 = arith.addf %add3A_60, %add3A_64 : vector<2048x128xf32>
    %max3A_66 = arith.constant 0.000000e+00 : f32
    %max3A_67 = vector.broadcast %max3A_66 : f32 to vector<2048x128xf32>
    %max3A_68 = arith.maximumf %add3A_65, %max3A_67 : vector<2048x128xf32>
    %get3A_69 = arith.constant 0 : index
    %get3A_70 = arith.constant 0 : index
    %get3A_71 = vector.load %arg13[%get3A_69, %get3A_70] : memref<128x64xf32, #tpu.memory_space<vmem>>, vector<128x64xf32>
    %dot_general3A_72 = arith.constant dense<0.000000e+00> : vector<2048x64xf32>
    %dot_general3A_73 = tpu.matmul %max3A_68, %get3A_71, %dot_general3A_72 {dimension_numbers = #tpu.dot_dimension_numbers<[1], [0], [0], [1], [0, 0, 1, 1], [], []>, transpose_lhs_hint = false} : vector<2048x128xf32>, vector<128x64xf32>, vector<2048x64xf32> -> vector<2048x64xf32>
    %get3A_74 = arith.constant 0 : index
    %get3A_75 = arith.constant 0 : index
    %get3A_76 = vector.load %arg14[%get3A_74, %get3A_75] : memref<1x64xf32, #tpu.memory_space<vmem>>, vector<1x64xf32>
    %add3A_77 = vector.broadcast %get3A_76 : vector<1x64xf32> to vector<2048x64xf32>
    %add3A_78 = arith.addf %dot_general3A_73, %add3A_77 : vector<2048x64xf32>
    %max3A_79 = arith.constant 0.000000e+00 : f32
    %max3A_80 = vector.broadcast %max3A_79 : f32 to vector<2048x64xf32>
    %max3A_81 = arith.maximumf %add3A_78, %max3A_80 : vector<2048x64xf32>
    %get3A_82 = arith.constant 0 : index
    %get3A_83 = arith.constant 0 : index
    %get3A_84 = vector.load %arg15[%get3A_82, %get3A_83] : memref<64x32xf32, #tpu.memory_space<vmem>>, vector<64x32xf32>
    %dot_general3A_85 = arith.constant dense<0.000000e+00> : vector<2048x32xf32>
    %dot_general3A_86 = tpu.matmul %max3A_81, %get3A_84, %dot_general3A_85 {dimension_numbers = #tpu.dot_dimension_numbers<[1], [0], [0], [1], [0, 0, 1, 1], [], []>, transpose_lhs_hint = false} : vector<2048x64xf32>, vector<64x32xf32>, vector<2048x32xf32> -> vector<2048x32xf32>
    %get3A_87 = arith.constant 0 : index
    %get3A_88 = arith.constant 0 : index
    %get3A_89 = vector.load %arg16[%get3A_87, %get3A_88] : memref<1x32xf32, #tpu.memory_space<vmem>>, vector<1x32xf32>
    %add3A_90 = vector.broadcast %get3A_89 : vector<1x32xf32> to vector<2048x32xf32>
    %add3A_91 = arith.addf %dot_general3A_86, %add3A_90 : vector<2048x32xf32>
    %max3A_92 = arith.constant 0.000000e+00 : f32
    %max3A_93 = vector.broadcast %max3A_92 : f32 to vector<2048x32xf32>
    %max3A_94 = arith.maximumf %add3A_91, %max3A_93 : vector<2048x32xf32>
    %get3A_95 = arith.constant 0 : index
    %get3A_96 = arith.constant 0 : index
    %get3A_97 = vector.load %arg17[%get3A_95, %get3A_96] : memref<1x32xf32, #tpu.memory_space<vmem>>, vector<1x32xf32>
    %mul3A = vector.broadcast %get3A_97 : vector<1x32xf32> to vector<2048x32xf32>
    %mul3A_98 = arith.mulf %max3A_94, %mul3A : vector<2048x32xf32>
    %reduce_sum3A = arith.constant dense<0.000000e+00> : vector<2048xf32>
    %reduce_sum3A_99 = vector.multi_reduction <add>, %mul3A_98, %reduce_sum3A [1] : vector<2048x32xf32> to vector<2048xf32>
    %get3A_100 = arith.constant 0 : index
    %get3A_101 = arith.constant 0 : index
    %get3A_102 = vector.load %arg18[%get3A_100, %get3A_101] : memref<1x1xf32, #tpu.memory_space<vmem>>, vector<1x1xf32>
    %get3A_103 = vector.extract %get3A_102[0, 0] : f32 from vector<1x1xf32>
    %add3A_104 = vector.broadcast %get3A_103 : f32 to vector<2048xf32>
    %add3A_105 = arith.addf %reduce_sum3A_99, %add3A_104 : vector<2048xf32>
    %get3A_106 = arith.constant 0 : index
    %get3A_107 = vector.load %arg6[%get3A_106] : memref<2048xf32, #tpu.memory_space<vmem>>, vector<2048xf32>
    %add3A_108 = arith.addf %add3A_105, %get3A_107 : vector<2048xf32>
    %logistic3A = arith.negf %add3A_108 : vector<2048xf32>
    %logistic3A_109 = math.exp %logistic3A : vector<2048xf32>
    %logistic3A_110 = arith.constant 1.000000e+00 : f32
    %logistic3A_111 = vector.broadcast %logistic3A_110 : f32 to vector<2048xf32>
    %logistic3A_112 = arith.addf %logistic3A_111, %logistic3A_109 : vector<2048xf32>
    %logistic3A_113 = arith.divf %logistic3A_111, %logistic3A_112 : vector<2048xf32>
    %mul3A_114 = arith.constant 5.000000e+00 : f32
    %mul3A_115 = vector.broadcast %mul3A_114 : f32 to vector<2048xf32>
    %mul3A_116 = arith.mulf %logistic3A_113, %mul3A_115 : vector<2048xf32>
    %swap3A = arith.constant 0 : index
    %swap3A_117 = vector.load %arg19[%swap3A] : memref<2048xf32, #tpu.memory_space<vmem>>, vector<2048xf32>
    tpu.vector_store %arg19[%swap3A], %mul3A_116 {strides = array<i32>} : memref<2048xf32, #tpu.memory_space<vmem>>, vector<2048xf32>,
    return
  }
  func.func @transform_0(%arg0: i32) -> (i32, i32) {
    %c0_i32 = arith.constant 0 : i32
    %c0_i32_0 = arith.constant 0 : i32
    return %arg0, %c0_i32 : i32, i32
  }
  func.func @transform_1(%arg0: i32) -> (i32, i32) {
    %c0_i32 = arith.constant 0 : i32
    %c0_i32_0 = arith.constant 0 : i32
    return %arg0, %c0_i32 : i32, i32
  }
  func.func @transform_2(%arg0: i32) -> (i32, i32) {
    %c0_i32 = arith.constant 0 : i32
    %c0_i32_0 = arith.constant 0 : i32
    return %arg0, %c0_i32 : i32, i32
  }
  func.func @transform_3(%arg0: i32) -> i32 {
    %c0_i32 = arith.constant 0 : i32
    return %arg0 : i32
  }
  func.func @transform_4(%arg0: i32) -> i32 {
    %c0_i32 = arith.constant 0 : i32
    return %arg0 : i32
  }
  func.func @transform_5(%arg0: i32) -> i32 {
    %c0_i32 = arith.constant 0 : i32
    return %arg0 : i32
  }
  func.func @transform_6(%arg0: i32) -> (i32, i32) {
    %c0_i32 = arith.constant 0 : i32
    %c0_i32_0 = arith.constant 0 : i32
    %c0_i32_1 = arith.constant 0 : i32
    return %c0_i32, %c0_i32_0 : i32, i32
  }
  func.func @transform_7(%arg0: i32) -> (i32, i32) {
    %c0_i32 = arith.constant 0 : i32
    %c0_i32_0 = arith.constant 0 : i32
    %c0_i32_1 = arith.constant 0 : i32
    return %c0_i32, %c0_i32_0 : i32, i32
  }
  func.func @transform_8(%arg0: i32) -> (i32, i32) {
    %c0_i32 = arith.constant 0 : i32
    %c0_i32_0 = arith.constant 0 : i32
    %c0_i32_1 = arith.constant 0 : i32
    return %c0_i32, %c0_i32_0 : i32, i32
  }
  func.func @transform_9(%arg0: i32) -> (i32, i32) {
    %c0_i32 = arith.constant 0 : i32
    %c0_i32_0 = arith.constant 0 : i32
    %c0_i32_1 = arith.constant 0 : i32
    return %c0_i32, %c0_i32_0 : i32, i32
  }
  func.func @transform_10(%arg0: i32) -> (i32, i32) {
    %c0_i32 = arith.constant 0 : i32
    %c0_i32_0 = arith.constant 0 : i32
    %c0_i32_1 = arith.constant 0 : i32
    return %c0_i32, %c0_i32_0 : i32, i32
  }
  func.func @transform_11(%arg0: i32) -> (i32, i32) {
    %c0_i32 = arith.constant 0 : i32
    %c0_i32_0 = arith.constant 0 : i32
    %c0_i32_1 = arith.constant 0 : i32
    return %c0_i32, %c0_i32_0 : i32, i32
  }
  func.func @transform_12(%arg0: i32) -> (i32, i32) {
    %c0_i32 = arith.constant 0 : i32
    %c0_i32_0 = arith.constant 0 : i32
    %c0_i32_1 = arith.constant 0 : i32
    return %c0_i32, %c0_i32_0 : i32, i32
  }
  func.func @transform_13(%arg0: i32) -> (i32, i32) {
    %c0_i32 = arith.constant 0 : i32
    %c0_i32_0 = arith.constant 0 : i32
    %c0_i32_1 = arith.constant 0 : i32
    return %c0_i32, %c0_i32_0 : i32, i32
  }
  func.func @transform_14(%arg0: i32) -> (i32, i32) {
    %c0_i32 = arith.constant 0 : i32
    %c0_i32_0 = arith.constant 0 : i32
    %c0_i32_1 = arith.constant 0 : i32
    return %c0_i32, %c0_i32_0 : i32, i32
  }
  func.func @transform_15(%arg0: i32) -> (i32, i32) {
    %c0_i32 = arith.constant 0 : i32
    %c0_i32_0 = arith.constant 0 : i32
    %c0_i32_1 = arith.constant 0 : i32
    return %c0_i32, %c0_i32_0 : i32, i32
  }
  func.func @transform_16(%arg0: i32) -> (i32, i32) {
    %c0_i32 = arith.constant 0 : i32
    %c0_i32_0 = arith.constant 0 : i32
    %c0_i32_1 = arith.constant 0 : i32
    return %c0_i32, %c0_i32_0 : i32, i32
  }
  func.func @transform_17(%arg0: i32) -> (i32, i32) {
    %c0_i32 = arith.constant 0 : i32
    %c0_i32_0 = arith.constant 0 : i32
    %c0_i32_1 = arith.constant 0 : i32
    return %c0_i32, %c0_i32_0 : i32, i32
  }
  func.func @transform_18(%arg0: i32) -> i32 {
    %c0_i32 = arith.constant 0 : i32
    return %arg0 : i32
  }
}

</mosaic_0001>

<sc_bundles>
// kernel: gather_offload_async_start.1
scs
__scs_entry_jumppad:
0x0: {  	(pc) =	sbr.rel $0x88, $3  }
0x1: {  	(tag) =	ssettag $0x0;
	lr =	simm.s32 $0x1  }
0x2: {  	[smem:$0x3F90] =	sst lr;
	_ =	strace $0xD0000000  }
0x3: {  	_ = 	snop  }
0x4: {  	_ = 	snop  }
0x5: {  	_ = 	snop  }
0x6: {  	_ = 	snop  }
0x7: {  	_ = 	snop  }
__scs_overlays_trampoline_lowered:
0x8: {  	[smem:$0x3F9F] =	sst s0  }
0x9: {  	[smem:$0x3FA0] =	sst s1  }
0xa: {  	[smem:$0x3FA1] =	sst s2  }
0xb: {  	[smem:$0x3FA2] =	sst s3  }
0xc: {  	[smem:$0x3FA3] =	sst s4  }
0xd: {  	[smem:$0x3FA4] =	sst s5  }
0xe: {  	[smem:$0x3FA5] =	sst s6  }
0xf: {  	[smem:$0x3FA6] =	sst s7  }
0x10: {  	[smem:$0x3FA7] =	sst s8  }
0x11: {  	[smem:$0x3FA8] =	sst s9;
	s0 =	simm.s32 @!p0 $0x0  }
0x12: {  	s1 =	sld [smem:$0x3F8E];
	s0 =	simm.s32 @p0 $0x1  }
0x13: {  	[smem:$0x3FA9] =	sst s0;
	s0 =	simm.s32 @!p1 $0x0  }
0x14: {  	s2 =	sld [smem:$0x3F8D];
	s0 =	simm.s32 @p1 $0x1  }
0x15: {  	[smem:$0x3FAA] =	sst s0;
	s0 =	simm.s32 @!p2 $0x0  }
0x16: {  	s3 =	sld [smem:$0x3FDB];
	s0 =	simm.s32 @p2 $0x1  }
0x17: {  	s4 =	simm.s32 $0x1BF5;
	[smem:$0x3FAC] =	sst s0  }
0x18: {  	s0 =	sld [smem:$0x3F8F];
	_ =	swait.ge [sflag:s4], $0x0  }
0x19: {  	s7 =	sld [smem:$0x3F90]  }
0x1a: {  	s8 =	sadd.s32 $0xFFFFE003, lr  }
0x1b: {  	s9 =	sadd.s32 $0xFFFFFEF7, lr;
	s5 =	simm.s32 $0xFFFFFFFF;
	p2 =	slt.u32 s8, $0xFFFFF086  }
0x1c: {  	p1 =	slt.u32 s9, $0xF7A;
	s5 =	simm.s32 @!p2 $0x0  }
0x1d: {  	s5 =	simm.s32 @p1 $0x1;
	p0 =	seq.s32 s7, s2  }
0x1e: {  	s7 =	smul.u32 @!p0 $0xF7A, s2;
	p2 =	seq.s32 @!p0 s5, $0x0  }
0x1f: {  	s9 =	smul.u32 $0xF7A, s1;
	s8 =	simm.s32 @!p0 $0x1BF5;
	p2 =	por !p2, p0  }
0x20: {  	[sflag:s8] =	ssyncset.s32 @!p0 $0xFFFFF086;
	s6 =	sadd.s32 @!p0 s3, s7;
	s7 =	simm.s32 @!p0 $0x108  }
0x21: {  	s3 =	sadd.s32 s3, s9;
	s6 =	sadd.s32 @!p0 $0x88, s6;
	s7 =	simm.s32 @p2 $0x1082  }
0x22: {  	[simem:s7], [sflag:s8] =	dma.local @!p0 [hbm:s6], $0xF7A  }
0x23: {  	s9 =	sor.u32 $0xD0000000, s2;
	s6 =	simm.s32 $0x108;
	_ =	swait.ge @!p0 [sflag:s8], $0x0  }
0x24: {  	s3 =	sadd.s32 $0x88, s3;
	s6 =	simm.s32 @!p1 $0x1082;
	[sflag:s4] =	ssyncset.s32 $0xFFFFF086  }
0x25: {  	[simem:s6], [sflag:s4] =	dma.local [hbm:s3], $0xF7A  }
0x26: {  	[smem:$0x3F90] =	sst s1;
	(tag) =	ssettag s2;
	_ =	strace s9  }
0x27: {  	s1 =	sld [smem:$0x3FA0]  }
0x28: {  	s2 =	sld [smem:$0x3FA1]  }
0x29: {  	s4 =	sld [smem:$0x3FA3]  }
0x2a: {  	p0 =	seq.s32 s5, $0x0;
	s5 =	sld [smem:$0x3FA4]  }
0x2b: {  	s6 =	sld [smem:$0x3FA5]  }
0x2c: {  	s7 =	sld [smem:$0x3FA6]  }
0x2d: {  	s3 =	simm.s32 $0x108;
	s8 =	sld [smem:$0x3FA7]  }
0x2e: {  	s3 =	simm.s32 @!p0 $0x1082;
	s9 =	sld [smem:$0x3FA8]  }
0x2f: {  	lr =	sadd.s32 s0, s3;
	s0 =	sld [smem:$0x3F9F]  }
0x30: {  	s3 =	sld [smem:$0x3FA2]  }
0x31: {  	[smem:$0x3FAB] =	sst s10  }
0x32: {  	s10 =	sld [smem:$0x3FA9];
	_ =	sdelay $0x3  }
0x33: {  	p0 =	seq.s32 s10, $0x1;
	s10 =	sld [smem:$0x3FAB];
	_ =	sdelay $0x3  }
0x34: {  	[smem:$0x3FAB] =	sst s10  }
0x35: {  	s10 =	sld [smem:$0x3FAA];
	_ =	sdelay $0x3  }
0x36: {  	p1 =	seq.s32 s10, $0x1;
	s10 =	sld [smem:$0x3FAB];
	_ =	sdelay $0x3  }
0x37: {  	[smem:$0x3FAB] =	sst s10  }
0x38: {  	s10 =	sld [smem:$0x3FAC]  }
0x39: {  	_ = 	snop;
	(pc) =	sbr.ind lr, $3  }
0x3a: {  	_ = 	snop  }
0x3b: {  	_ = 	snop  }
0x3c: {  	p2 =	seq.s32 s10, $0x1;
	s10 =	sld [smem:$0x3FAB]  }
0x3d: {  	_ =	shalt  }
0x3e: {  	_ =	shalt  }
0x3f: {  	_ =	shalt  }
0x40: {  	_ =	shalt  }
0x41: {  	_ =	shalt  }
0x42: {  	_ =	shalt  }
0x43: {  	_ =	shalt  }
0x44: {  	_ =	shalt  }
0x45: {  	_ =	shalt  }
0x46: {  	_ =	shalt  }
0x47: {  	_ =	shalt  }
0x48: {  	_ =	shalt  }
0x49: {  	_ =	shalt  }
0x4a: {  	_ =	shalt  }
0x4b: {  	_ =	shalt  }
0x4c: {  	_ =	shalt  }
0x4d: {  	_ =	shalt  }
0x4e: {  	_ =	shalt  }
0x4f: {  	_ =	shalt  }
0x50: {  	_ =	shalt  }
0x51: {  	_ =	shalt  }
0x52: {  	_ =	shalt  }
0x53: {  	_ =	shalt  }
0x54: {  	_ =	shalt  }
0x55: {  	_ =	shalt  }
0x56: {  	_ =	shalt  }
0x57: {  	_ =	shalt  }
0x58: {  	_ =	shalt  }
0x59: {  	_ =	shalt  }
0x5a: {  	_ =	shalt  }
0x5b: {  	_ =	shalt  }
0x5c: {  	_ =	shalt  }
0x5d: {  	_ =	shalt  }
0x5e: {  	_ =	shalt  }
0x5f: {  	_ =	shalt  }
0x60: {  	_ =	shalt  }
0x61: {  	_ =	shalt  }
0x62: {  	_ =	shalt  }
0x63: {  	_ =	shalt  }
0x64: {  	_ =	shalt  }
0x65: {  	_ =	shalt  }
0x66: {  	_ =	shalt  }
0x67: {  	_ =	shalt  }
0x68: {  	_ =	shalt  }
0x69: {  	_ =	shalt  }
0x6a: {  	_ =	shalt  }
0x6b: {  	_ =	shalt  }
0x6c: {  	_ =	shalt  }
0x6d: {  	_ =	shalt  }
0x6e: {  	_ =	shalt  }
0x6f: {  	_ =	shalt  }
0x70: {  	_ =	shalt  }
0x71: {  	_ =	shalt  }
0x72: {  	_ =	shalt  }
0x73: {  	_ =	shalt  }
0x74: {  	_ =	shalt  }
0x75: {  	_ =	shalt  }
0x76: {  	_ =	shalt  }
0x77: {  	_ =	shalt  }
0x78: {  	_ =	shalt  }
0x79: {  	_ =	shalt  }
0x7a: {  	_ =	shalt  }
0x7b: {  	_ =	shalt  }
0x7c: {  	_ =	shalt  }
0x7d: {  	_ =	shalt  }
0x7e: {  	_ =	shalt  }
0x7f: {  	_ =	shalt  }
0x80: {  	_ =	shalt  }
0x81: {  	_ =	shalt  }
0x82: {  	_ =	shalt  }
0x83: {  	_ =	shalt  }
0x84: {  	_ =	shalt  }
0x85: {  	_ =	shalt  }
0x86: {  	_ =	shalt  }
0x87: {  	_ =	shalt  }
.Lfunc_end0:
.L_simem_size_0:
called_computation.1_lowered:
.L_overlay_start_0:
0x88: {  	s2 =	sld [smem:$0x3FD9]  }
0x89: {  	s3 =	sld [smem:$0x3FFE];
	_ =	sdelay $0x1  }
0x8a: {  	s1 =	srdreg.scid  }
0x8b: {  	s0 =	sand.u32 $0x1, s1  }
0x8c: {  	s17 =	sshll.u32 s0, $0xA;
	s2 =	sadd.s32 s3, s2  }
0x8d: {  	s2 =	sadd.s32 s2, s17  }
0x8e: {  	[smem:$0x3FB7] =	sst s2  }
0x8f: {  	_ = 	snop  }
0x90: {  	s18 =	sld [smem:$0x3FD0];
	(tm) =	ssettm $0x1  }
0x91: {  	s19 =	sld [smem:$0x3FFB];
	_ =	sdelay $0x3  }
0x92: {  	_ =	strace s19  }
0x93: {  	s2 =	sld [smem:$0x3FFC];
	_ =	sdelay $0x3  }
0x94: {  	_ =	strace s2  }
0x95: {  	s2 =	sld [smem:$0x3FFD];
	_ =	sdelay $0x3  }
0x96: {  	_ =	strace s2  }
0x97: {  	_ =	strace $0x8FFFFFFF  }
0x98: {  	s20 =	sld [smem:$0x3FDB];
	_ =	sdelay $0x1  }
0x99: {  	s4 =	simm.s32 $_scs_section_size  }
0x9a: {  	s5 =	simm.s32 $_size__tile_overlayer_lowered;
	s6 =	simm.s32 $_tile_overlayer_lowered  }
0x9b: {  	s7 =	simm.s32 $0x1BFF;
	s21 =	sshll.u32 s6, $0x1;
	s4 =	sadd.s32 s4, s20  }
0x9c: {  	s22 =	simm.s32 $0x0;
	s5 =	sshll.u32 s5, $0x1;
	s6 =	sadd.s32 s21, s4  }
0x9d: {  	[timem:s22], [sflag:s7] =	dma.local [hbm:s6], s5  }
0x9e: {  	_ =	swait.ge [sflag:s7], s5  }
0x9f: {  	s5 =	ssub.s32 $0x0, s5;
	[sflag:s7] =	ssyncset.done $0x0  }
0xa0: {  	[sflag:s7] =	ssyncadd.s32 s5;
	_ =	sdelay $0x1  }
0xa1: {  	s23 =	simm.s32 $0x1B8B  }
0xa2: {  	_ =	swait.ge [sflag:s23], $0x1  }
0xa3: {  	[sflag:s23] =	ssyncset.done $0x0  }
0xa4: {  	[sflag:s23] =	ssyncadd.s32 $0xFFFFFFFF  }
0xa5: {  	s5 =	sld [smem:$0x0]  }
0xa6: {  	s6 =	sand.u32 $0xFFFFFFFE, s1  }
0xa7: {  	p0 =	sne.s32 s1, s6  }
0xa8: {  	s6 =	sshll.u32 @p0 s6, $0xE  }
0xa9: {  	s6 =	sadd.s32 @p0 $0x11B8D, s6;
	s7 =	sshll.u32 @p0 s5, $0x11  }
0xaa: {  	s6 =	sor.u32 @p0 s7, s6  }
0xab: {  	[sflag:s6] =	ssyncadd.remote.s32 @p0 $0x1;
	_ =	sdelay $0x1  }
0xac: {  	s6 =	simm.s32 @p0 $0x1B8D  }
0xad: {  	_ =	swait.eq @p0 [sflag:s6], $0x1  }
0xae: {  	[sflag:s6] =	ssyncadd.s32 @p0 $0xFFFFFFFF  }
0xaf: {  	s7 =	sshll.u32 @!p0 s1, $0xE  }
0xb0: {  	s7 =	sor.u32 @!p0 $0x4000, s7;
	s6 =	simm.s32 @!p0 $0x1B8D  }
0xb1: {  	s5 =	sshll.u32 @!p0 s5, $0x11;
	s7 =	sadd.s32 @!p0 $0x11B8D, s7;
	_ =	swait.eq @!p0 [sflag:s6], $0x1  }
0xb2: {  	s5 =	sor.u32 @!p0 s5, s7;
	[sflag:s6] =	ssyncadd.s32 @!p0 $0xFFFFFFFF  }
0xb3: {  	s25 =	simm.s32 $0x1B8E;
	s24 =	sld [smem:$0x3FFE];
	[sflag:s5] =	ssyncadd.remote.s32 @!p0 $0x1  }
0xb4: {  	s26 =	simm.s32 $execute0_lowered;
	[smem:$0x3FD2] =	sst s25  }
0xb5: {  	s6 =	sshll.u32 s26, $0x1;
	_ =	strace $0x80000049;
	[dreg:$0x1] =	wrdreg $0xFFFFFFFF  }
0xb6: {  	s28 =	simm.s32 $_size_execute0_lowered;
	s4 =	sadd.s32 s4, s6;
	[dreg:$0x0] =	wrdreg $0x0  }
0xb7: {  	s6 =	sshll.u32 s28, $0x1;
	[dreg:$0x2] =	wrdreg s4  }
0xb8: {  	[dreg:$0x3] =	wrdreg s6  }
0xb9: {  	[dreg:$0x4] =	wrdreg $0xC0  }
0xba: {  	_ =	task [dreg:s22], $0x5FFFF  }
0xbb: {  	[dreg:$0x1] =	wrdreg $0xFFFFFFFF  }
0xbc: {  	[dreg:$0x0] =	wrdreg $0x60  }
0xbd: {  	[dreg:$0x2] =	wrdreg s24  }
0xbe: {  	[dreg:$0x3] =	wrdreg s18  }
0xbf: {  	[dreg:$0x4] =	wrdreg $0xA  }
0xc0: {  	_ =	task.clear_ibuf [dreg:s22], $0x5FFFF;
	_ =	strace $0x90000049  }
0xc1: {  	s29 =	simm.s32 $0xA;
	_ =	strace $0x8000004B  }
0xc2: {  	_ =	swait.ge [sflag:s29], $0x1  }
0xc3: {  	[sflag:s29] =	ssyncadd.s32 $0xFFFFFFFF  }
0xc4: {  	_ =	strace $0x9000004B  }
0xc5: {  	_ =	sfence  }
0xc6: {  	s30 =	sld [smem:$0x0];
	_ =	sdelay $0x2  }
0xc7: {  	s31 =	sshll.u32 s1, $0xD;
	s1 =	sshrl.u32 s1, $0x2  }
0xc8: {  	s4 =	sand.u32 $0x4000, s31;
	s1 =	sadd.s32 s1, s30  }
0xc9: {  	s0 =	sor.u32 s4, s0;
	s1 =	sshll.u32 s1, $0x11  }
0xca: {  	s0 =	sor.u32 s1, s0  }
0xcb: {  	s0 =	sadd.s32 $0x8F2B, s0  }
0xcc: {  	[sflag:s0] =	ssyncadd.remote.s32 $0x1  }
0xcd: {  	_ =	sfence.sel $0xFFFF  }
0xce: {  	[dreg:$0x0] =	wrdreg $0xFFFFFFFF;
	(pc) =	sbr.abs _section_cstart, $3  }
0xcf: {  	[dreg:$0x1] =	wrdreg $0xFFFFFFFF  }
0xd0: {  	_ =	task.clear_ibuf [dreg:s22], $0x2FFFF;
	_ =	strace $0x9FFFFFFF  }
0xd1: {  	(tm) =	ssettm $0x7FFFFFFF  }
tec
execute0_lowered:
.L_overlay_start_1:
0x0: {  	(tag) =	ssettag $0x1  }
0x1: {  	s5 =	rddreg [dreg:$0x0];
	s0 =	srdreg.scid  }
0x2: {  	s2 =	rddreg [dreg:$0x1];
	s1 =	stileid.u32;
	s6 =	simm.s32 $0x1  }
0x3: {  	s9 =	simm.s32 $0x1;
	s10 =	simm.s32 $0x3;
	s3 =	sshll.u32 s0, $0x8  }
0x4: {  	s13 =	simm.s32 $0x0;
	s4 =	sshll.u32 s1, $0x9;
	s3 =	sand.u32 $0x100, s3  }
0x5: {  	s0 =	rddreg [dreg:$0x2];
	_ =	strace $0x8000004A;
	s3 =	sor.u32 s4, s3  }
0x6: {  	s12 =	simm.s32 $0x0;
	[sflag:s6] =	ssyncpa.u1 $0x0;
	s8 =	ssub.s32 $0x4000, s3  }
.Ltmp0:
0x7: {  	s4 =	sadd.s32 $0x1A8600, s5;
	s7 =	sand.u32 $0x1F00, s8;
	(pc) =	sbr.rel .LBB2_1-.Ltmp0, $4  }
0x8: {  	s5 =	sadd.s32 $0x1AC000, s5;
	s11 =	smov.u32 s3;
	p0 =	sne.s32 s7, $0x0  }
0x9: {  	s8 =	sshrl.u32 s8, $0xD;
	s7 =	simm.s32 $0x2;
	s9 =	simm.s32 @!p0 $0x0  }
0xa: {  	[sflag:s7] =	ssyncpa.u1 $0x0;
	p0 =	por $0x0, $0x0;
	s8 =	sadd.s32 s9, s8  }
0xb: {  	vm0 =	vmmov $0xffff;
	[sflag:s10] =	ssyncpa.u1 $0x0;
	s10 =	simm.s32 $0x0;
	s9 =	sadd.s32 $0x1, s8  }
.LBB2_4:
0xc: {  	v2 =	vnsel vm1, $0x0, v2  }
0xd: {  	vm1 =	vgt.s32 v0, $0x0;
	v2 =	vmin.u32 v2, $0x1869F  }
0xe: {  	v0 =	vnsel vm1, $0x0, v0  }
0xf: {  	v0 =	vmin.u32 v0, $0x1869F  }
0x10: {  	[tilespmem:s15], [sflag:$0x1] =	stream.indirect_vreg.gather [hbm4b:s4+s10], $0x1, v1, vm0, $0x4038;
	[tilespmem:$0x400] =	vst v63  }
0x11: {  	(ifvalue) =	ssetifvalue $0x7FFFFFFF  }
0x12: {  	[tilespmem:s16], [sflag:$0x1] =	stream.indirect_vreg.gather [hbm4b:s4+s10], $0x1, v2, vm0, $0x4038;
	[tilespmem:$0x400] =	vst v63  }
0x13: {  	s29 =	sadd.s32 $0x10, s16;
	(ifvalue) =	ssetifvalue $0x7FFFFFFF  }
0x14: {  	[tilespmem:s29], [sflag:$0x1] =	stream.indirect_vreg.gather [hbm4b:s4+s10], $0x1, v0, vm0, $0x4038;
	[tilespmem:$0x400] =	vst v63  }
0x15: {  	_ =	swait.ge [sflag:s6], $0x100  }
0x16: {  	s30 =	sshrl.u32 s13, $0x3;
	[sflag:s6] =	ssyncset.done $0x0  }
0x17: {  	s31 =	sand.u32 $0x7, s13;
	s15 =	sadd.s32 s5, s30;
	[sflag:s6] =	ssyncadd.s32 $0xFFFFFF00  }
0x18: {  	[hbm4b:s15+s31] =	stream.linear.scatter [tilespmem:s14], [sflag:$0x3], $0x100, $0x38;
	[tilespmem:$0x400] =	vst v63  }
.LBB2_5:
0x19: {  	s15 =	sadd.s32 $0x2000, s11  }
0x1a: {  	p2 =	sgt.s32 s15, $0x3FFF  }
0x1b: {  	s15 =	smov.u32 @p2 s3;
	p2 =	sne.s32 s12, s9  }
.Ltmp1:
0x1c: {  	p1 =	slt.u32 s12, $0x2;
	(pc) =	sbr.rel @!p2 .LBB2_6-.Ltmp1, $4  }
0x1d: {  	s14 =	simm.s32 @!p1 $0x3  }
0x1e: {  	s16 =	sadd.s32 $0x1, s12;
	_ =	swait.ge @!p1 [sflag:s14], $0x100  }
0x1f: {  	s13 =	smov.u32 s11;
	p0 =	por !p0, !p0;
	[sflag:s14] =	ssyncset.done @!p1 $0x0  }
0x20: {  	s12 =	smov.u32 s16;
	s11 =	smov.u32 s15;
	[sflag:s14] =	ssyncadd.s32 @!p1 $0xFFFFFF00  }
.LBB2_1:
0x21: {  	p1 =	sge.u32 s12, s8  }
0x22: {  	s14 =	sxor.u32 @!p1 $0xFFFFFFFF, s12  }
0x23: {  	s31 =	sadd.s32 $0xFFFFFFFF, s12;
	s15 =	sshrl.u32 @!p1 s11, $0x3;
	s14 =	sshll.u32 @!p1 s14, $0x8  }
0x24: {  	s16 =	sand.u32 @!p1 $0x7, s11;
	s15 =	sadd.s32 @!p1 s2, s15;
	s14 =	sand.u32 @!p1 $0x100, s14  }
0x25: {  	[tilespmem:s14], [sflag:$0x2] =	stream.linear.gather @!p1 [hbm4b:s15+s16], $0x100, $0x38;
	[tilespmem:$0x400] =	vst v63  }
0x26: {  	p1 =	sge.u32 s31, s8  }
.Ltmp2:
0x27: {  	_ = 	snop;
	(pc) =	sbr.rel @p1 .LBB2_5-.Ltmp2, $1  }
0x28: {  	_ =	sdelay $0x3  }
0x29: {  	s14 =	simm.s32 $0x1  }
0x2a: {  	_ =	swait.ge [sflag:s7], $0x100;
	s14 =	simm.s32 @!p0 $0x0  }
0x2b: {  	[sflag:s7] =	ssyncset.done $0x0;
	s14 =	sshll.u32 s14, $0x8  }
0x2c: {  	[sflag:s7] =	ssyncadd.s32 $0xFFFFFF00;
	(ifvalue) =	ssetifvalue $0x7FFFFFFF;
	v0 =	vld.msk [tilespmem:s14+$0x0 ss:$0x1], $0xffff;
	_ =	sdelay $0x4  }
0x2d: {  	s15 =	sadd.s32 $0x10, s14;
	vm1 =	vgt.s32 v0, $0x0  }
0x2e: {  	v2 =	vld.msk [tilespmem:s15+$0x0 ss:$0x1], $0xffff;
	v1 =	vnsel vm1, $0x0, v0  }
0x2f: {  	v1 =	vmin.u32 v1, $0x1869F;
	_ =	sdelay $0x1  }
0x30: {  	s16 =	sshll.u32 s12, $0x8;
	s18 =	simm.s32 $0x20  }
0x31: {  	s16 =	sand.u32 $0x100, s16;
	s17 =	sadd.s32 $0x10, s15;
	s15 =	sor.u32 $0x200, s14  }
0x32: {  	s14 =	sor.u32 $0x200, s16;
	s16 =	sadd.s32 $0x10, s15;
	v0 =	vld.msk [tilespmem:s17+$0x0 ss:$0x1], $0xffff;
	vm1 =	vgt.s32 v2, $0x0;
	(ifvalue) =	ssetifvalue $0x7FFFFFFF  }
.LBB2_3:
0x33: {  	[tilespmem:s15], [sflag:$0x1] =	stream.indirect_vreg.gather [hbm4b:s4+s10], $0x1, v1, vm0, $0x4038;
	[tilespmem:$0x400] =	vst v63  }
0x34: {  	s18 =	sadd.s32 $0x10, s18  }
0x35: {  	v2 =	vnsel vm1, $0x0, v2;
	p1 =	slt.u32 s18, $0xF0  }
.Ltmp3:
0x36: {  	s15 =	smov.u32 s16;
	v1 =	vmin.u32 v2, $0x1869F;
	(pc) =	sbr.rel @p1 .LBB2_3-.Ltmp3, $3  }
0x37: {  	_ =	sdelay $0x1  }
0x38: {  	s17 =	sadd.s32 $0x10, s17  }
0x39: {  	vm1 =	vgt.s32 v0, $0x0;
	s16 =	sadd.s32 $0x10, s16;
	v2 =	vmov v0;
	(ifvalue) =	ssetifvalue $0x7FFFFFFF;
	v0 =	vld.msk [tilespmem:s17+$0x0 ss:$0x1], $0xffff  }
.Ltmp4:
0x3a: {  	_ = 	snop;
	(pc) =	sbr.rel .LBB2_4-.Ltmp4, $1  }
0x3b: {  	_ =	sdelay $0x3  }
.LBB2_6:
0x3c: {  	_ =	sfence.sel $0x180000  }
0x3d: {  	s2 =	simm.s32 $0x2;
	[bflag:$0x0] =	sbarrier.arrive $0xFFFF  }
0x3e: {  	s30 =	simm.s32 $0x3;
	[sflag:s2] =	ssyncpa.u1 $0x1  }
0x3f: {  	s31 =	simm.s32 $0x1;
	[sflag:s30] =	ssyncpa.u1 $0x1  }
0x40: {  	[sflag:s31] =	ssyncpa.u1 $0x1  }
0x41: {  	p0 =	sne.s32 s1, $0x0;
	_ =	strace $0x9000004A  }
0x42: {  	s0 =	sadd.s32 @!p0 $0x100000, s0;
	[bflag:$0x2] =	sbarrier.arrive $0xFFFF  }
0x43: {  	[sflag:s0] =	ssyncadd.tile.s32 @!p0 $0x1;
	_ =	shalt  }
.Lfunc_end2:
_tile_overlayer_lowered:
.L_overlay_start_2:
0x44: {  	(tag) =	ssettag $0x2  }
0x45: {  	s0 =	rddreg [dreg:$0x0];
	s2 =	stileid.u32  }
0x46: {  	s1 =	rddreg [dreg:$0x1];
	p0 =	sne.s32 s2, $0x0  }
0x47: {  	s3 =	rddreg [dreg:$0x2];
	[bflag:$0x3] =	sbarrier.arrive $0xFFFF;
	s2 =	simm.s32 @!p0 $0x1C01  }
0x48: {  	[timem:s3], [sflag:s2] =	dma.local @!p0 [hbm:s0], s1  }
0x49: {  	s0 =	simm.s32 @!p0 $0x1  }
0x4a: {  	_ =	swait.ge @!p0 [sflag:s0], s1  }
0x4b: {  	s1 =	ssub.s32 @!p0 $0x0, s1;
	[sflag:s0] =	ssyncset.done @!p0 $0x0  }
0x4c: {  	[sflag:s0] =	ssyncadd.s32 @!p0 s1  }
0x4d: {  	[bflag:$0x3] =	sbarrier.arrive $0xFFFF  }
0x4e: {  	_ =	shalt  }

// kernel: gather_offload_async_start
scs
__scs_entry_jumppad:
0x0: {  	(pc) =	sbr.rel $0x88, $3  }
0x1: {  	(tag) =	ssettag $0x0;
	lr =	simm.s32 $0x1  }
0x2: {  	[smem:$0x3F90] =	sst lr;
	_ =	strace $0xD0000000  }
0x3: {  	_ = 	snop  }
0x4: {  	_ = 	snop  }
0x5: {  	_ = 	snop  }
0x6: {  	_ = 	snop  }
0x7: {  	_ = 	snop  }
__scs_overlays_trampoline_lowered:
0x8: {  	[smem:$0x3F9F] =	sst s0  }
0x9: {  	[smem:$0x3FA0] =	sst s1  }
0xa: {  	[smem:$0x3FA1] =	sst s2  }
0xb: {  	[smem:$0x3FA2] =	sst s3  }
0xc: {  	[smem:$0x3FA3] =	sst s4  }
0xd: {  	[smem:$0x3FA4] =	sst s5  }
0xe: {  	[smem:$0x3FA5] =	sst s6  }
0xf: {  	[smem:$0x3FA6] =	sst s7  }
0x10: {  	[smem:$0x3FA7] =	sst s8  }
0x11: {  	[smem:$0x3FA8] =	sst s9;
	s0 =	simm.s32 @!p0 $0x0  }
0x12: {  	s1 =	sld [smem:$0x3F8E];
	s0 =	simm.s32 @p0 $0x1  }
0x13: {  	[smem:$0x3FA9] =	sst s0;
	s0 =	simm.s32 @!p1 $0x0  }
0x14: {  	s2 =	sld [smem:$0x3F8D];
	s0 =	simm.s32 @p1 $0x1  }
0x15: {  	[smem:$0x3FAA] =	sst s0;
	s0 =	simm.s32 @!p2 $0x0  }
0x16: {  	s3 =	sld [smem:$0x3FDB];
	s0 =	simm.s32 @p2 $0x1  }
0x17: {  	s4 =	simm.s32 $0x1BF5;
	[smem:$0x3FAC] =	sst s0  }
0x18: {  	s0 =	sld [smem:$0x3F8F];
	_ =	swait.ge [sflag:s4], $0x0  }
0x19: {  	s7 =	sld [smem:$0x3F90]  }
0x1a: {  	s8 =	sadd.s32 $0xFFFFE003, lr  }
0x1b: {  	s9 =	sadd.s32 $0xFFFFFEF7, lr;
	s5 =	simm.s32 $0xFFFFFFFF;
	p2 =	slt.u32 s8, $0xFFFFF086  }
0x1c: {  	p1 =	slt.u32 s9, $0xF7A;
	s5 =	simm.s32 @!p2 $0x0  }
0x1d: {  	s5 =	simm.s32 @p1 $0x1;
	p0 =	seq.s32 s7, s2  }
0x1e: {  	s7 =	smul.u32 @!p0 $0xF7A, s2;
	p2 =	seq.s32 @!p0 s5, $0x0  }
0x1f: {  	s9 =	smul.u32 $0xF7A, s1;
	s8 =	simm.s32 @!p0 $0x1BF5;
	p2 =	por !p2, p0  }
0x20: {  	[sflag:s8] =	ssyncset.s32 @!p0 $0xFFFFF086;
	s6 =	sadd.s32 @!p0 s3, s7;
	s7 =	simm.s32 @!p0 $0x108  }
0x21: {  	s3 =	sadd.s32 s3, s9;
	s6 =	sadd.s32 @!p0 $0x88, s6;
	s7 =	simm.s32 @p2 $0x1082  }
0x22: {  	[simem:s7], [sflag:s8] =	dma.local @!p0 [hbm:s6], $0xF7A  }
0x23: {  	s9 =	sor.u32 $0xD0000000, s2;
	s6 =	simm.s32 $0x108;
	_ =	swait.ge @!p0 [sflag:s8], $0x0  }
0x24: {  	s3 =	sadd.s32 $0x88, s3;
	s6 =	simm.s32 @!p1 $0x1082;
	[sflag:s4] =	ssyncset.s32 $0xFFFFF086  }
0x25: {  	[simem:s6], [sflag:s4] =	dma.local [hbm:s3], $0xF7A  }
0x26: {  	[smem:$0x3F90] =	sst s1;
	(tag) =	ssettag s2;
	_ =	strace s9  }
0x27: {  	s1 =	sld [smem:$0x3FA0]  }
0x28: {  	s2 =	sld [smem:$0x3FA1]  }
0x29: {  	s4 =	sld [smem:$0x3FA3]  }
0x2a: {  	p0 =	seq.s32 s5, $0x0;
	s5 =	sld [smem:$0x3FA4]  }
0x2b: {  	s6 =	sld [smem:$0x3FA5]  }
0x2c: {  	s7 =	sld [smem:$0x3FA6]  }
0x2d: {  	s3 =	simm.s32 $0x108;
	s8 =	sld [smem:$0x3FA7]  }
0x2e: {  	s3 =	simm.s32 @!p0 $0x1082;
	s9 =	sld [smem:$0x3FA8]  }
0x2f: {  	lr =	sadd.s32 s0, s3;
	s0 =	sld [smem:$0x3F9F]  }
0x30: {  	s3 =	sld [smem:$0x3FA2]  }
0x31: {  	[smem:$0x3FAB] =	sst s10  }
0x32: {  	s10 =	sld [smem:$0x3FA9];
	_ =	sdelay $0x3  }
0x33: {  	p0 =	seq.s32 s10, $0x1;
	s10 =	sld [smem:$0x3FAB];
	_ =	sdelay $0x3  }
0x34: {  	[smem:$0x3FAB] =	sst s10  }
0x35: {  	s10 =	sld [smem:$0x3FAA];
	_ =	sdelay $0x3  }
0x36: {  	p1 =	seq.s32 s10, $0x1;
	s10 =	sld [smem:$0x3FAB];
	_ =	sdelay $0x3  }
0x37: {  	[smem:$0x3FAB] =	sst s10  }
0x38: {  	s10 =	sld [smem:$0x3FAC]  }
0x39: {  	_ = 	snop;
	(pc) =	sbr.ind lr, $3  }
0x3a: {  	_ = 	snop  }
0x3b: {  	_ = 	snop  }
0x3c: {  	p2 =	seq.s32 s10, $0x1;
	s10 =	sld [smem:$0x3FAB]  }
0x3d: {  	_ =	shalt  }
0x3e: {  	_ =	shalt  }
0x3f: {  	_ =	shalt  }
0x40: {  	_ =	shalt  }
0x41: {  	_ =	shalt  }
0x42: {  	_ =	shalt  }
0x43: {  	_ =	shalt  }
0x44: {  	_ =	shalt  }
0x45: {  	_ =	shalt  }
0x46: {  	_ =	shalt  }
0x47: {  	_ =	shalt  }
0x48: {  	_ =	shalt  }
0x49: {  	_ =	shalt  }
0x4a: {  	_ =	shalt  }
0x4b: {  	_ =	shalt  }
0x4c: {  	_ =	shalt  }
0x4d: {  	_ =	shalt  }
0x4e: {  	_ =	shalt  }
0x4f: {  	_ =	shalt  }
0x50: {  	_ =	shalt  }
0x51: {  	_ =	shalt  }
0x52: {  	_ =	shalt  }
0x53: {  	_ =	shalt  }
0x54: {  	_ =	shalt  }
0x55: {  	_ =	shalt  }
0x56: {  	_ =	shalt  }
0x57: {  	_ =	shalt  }
0x58: {  	_ =	shalt  }
0x59: {  	_ =	shalt  }
0x5a: {  	_ =	shalt  }
0x5b: {  	_ =	shalt  }
0x5c: {  	_ =	shalt  }
0x5d: {  	_ =	shalt  }
0x5e: {  	_ =	shalt  }
0x5f: {  	_ =	shalt  }
0x60: {  	_ =	shalt  }
0x61: {  	_ =	shalt  }
0x62: {  	_ =	shalt  }
0x63: {  	_ =	shalt  }
0x64: {  	_ =	shalt  }
0x65: {  	_ =	shalt  }
0x66: {  	_ =	shalt  }
0x67: {  	_ =	shalt  }
0x68: {  	_ =	shalt  }
0x69: {  	_ =	shalt  }
0x6a: {  	_ =	shalt  }
0x6b: {  	_ =	shalt  }
0x6c: {  	_ =	shalt  }
0x6d: {  	_ =	shalt  }
0x6e: {  	_ =	shalt  }
0x6f: {  	_ =	shalt  }
0x70: {  	_ =	shalt  }
0x71: {  	_ =	shalt  }
0x72: {  	_ =	shalt  }
0x73: {  	_ =	shalt  }
0x74: {  	_ =	shalt  }
0x75: {  	_ =	shalt  }
0x76: {  	_ =	shalt  }
0x77: {  	_ =	shalt  }
0x78: {  	_ =	shalt  }
0x79: {  	_ =	shalt  }
0x7a: {  	_ =	shalt  }
0x7b: {  	_ =	shalt  }
0x7c: {  	_ =	shalt  }
0x7d: {  	_ =	shalt  }
0x7e: {  	_ =	shalt  }
0x7f: {  	_ =	shalt  }
0x80: {  	_ =	shalt  }
0x81: {  	_ =	shalt  }
0x82: {  	_ =	shalt  }
0x83: {  	_ =	shalt  }
0x84: {  	_ =	shalt  }
0x85: {  	_ =	shalt  }
0x86: {  	_ =	shalt  }
0x87: {  	_ =	shalt  }
.Lfunc_end0:
.L_simem_size_0:
called_computation_lowered:
.L_overlay_start_0:
0x88: {  	s2 =	sld [smem:$0x3FD9]  }
0x89: {  	s3 =	sld [smem:$0x3FFE];
	_ =	sdelay $0x1  }
0x8a: {  	s1 =	srdreg.scid  }
0x8b: {  	s0 =	sand.u32 $0x1, s1  }
0x8c: {  	s16 =	sshll.u32 s0, $0xA;
	s2 =	sadd.s32 s3, s2  }
0x8d: {  	s2 =	sadd.s32 s2, s16  }
0x8e: {  	[smem:$0x3FB7] =	sst s2  }
0x8f: {  	_ = 	snop  }
0x90: {  	(tm) =	ssettm $0x1  }
0x91: {  	s17 =	sld [smem:$0x3FFB];
	_ =	sdelay $0x3  }
0x92: {  	_ =	strace s17  }
0x93: {  	s2 =	sld [smem:$0x3FFC];
	_ =	sdelay $0x3  }
0x94: {  	_ =	strace s2  }
0x95: {  	s2 =	sld [smem:$0x3FFD];
	_ =	sdelay $0x3  }
0x96: {  	_ =	strace s2  }
0x97: {  	_ =	strace $0x8FFFFFFF  }
0x98: {  	s18 =	sld [smem:$0x3FDB];
	_ =	sdelay $0x1  }
0x99: {  	s19 =	simm.s32 $_scs_section_size  }
0x9a: {  	s4 =	simm.s32 $_size__tile_overlayer_lowered;
	s5 =	simm.s32 $_tile_overlayer_lowered  }
0x9b: {  	s22 =	simm.s32 $0x1BFF;
	s21 =	sshll.u32 s5, $0x1;
	s2 =	sadd.s32 s19, s18  }
0x9c: {  	s6 =	simm.s32 $0x0;
	s20 =	sshll.u32 s4, $0x1;
	s4 =	sadd.s32 s21, s2  }
0x9d: {  	[timem:s6], [sflag:s22] =	dma.local [hbm:s4], s20  }
0x9e: {  	_ =	swait.ge [sflag:s22], s20  }
0x9f: {  	s3 =	ssub.s32 $0x0, s20;
	[sflag:s22] =	ssyncset.done $0x0  }
0xa0: {  	[sflag:s22] =	ssyncadd.s32 s3;
	_ =	sdelay $0x1  }
0xa1: {  	s23 =	simm.s32 $0x1B8B  }
0xa2: {  	_ =	swait.ge [sflag:s23], $0x1  }
0xa3: {  	[sflag:s23] =	ssyncset.done $0x0  }
0xa4: {  	s25 =	simm.s32 $0x1B8E;
	s24 =	sld [smem:$0x3FFE];
	[sflag:s23] =	ssyncadd.s32 $0xFFFFFFFF  }
0xa5: {  	s26 =	simm.s32 $execute0_lowered;
	[smem:$0x3FD2] =	sst s25  }
0xa6: {  	s4 =	sshll.u32 s26, $0x1;
	_ =	strace $0x80000046;
	[dreg:$0x1] =	wrdreg $0xFFFFFFFF  }
0xa7: {  	s28 =	simm.s32 $_size_execute0_lowered;
	s2 =	sadd.s32 s2, s4;
	[dreg:$0x0] =	wrdreg $0x0  }
0xa8: {  	s4 =	sshll.u32 s28, $0x1;
	[dreg:$0x2] =	wrdreg s2  }
0xa9: {  	[dreg:$0x3] =	wrdreg s4  }
0xaa: {  	[dreg:$0x4] =	wrdreg $0xC0  }
0xab: {  	_ =	task [dreg:s6], $0x5FFFF  }
0xac: {  	[dreg:$0x1] =	wrdreg $0xFFFFFFFF  }
0xad: {  	[dreg:$0x0] =	wrdreg $0x60  }
0xae: {  	[dreg:$0x2] =	wrdreg s24  }
0xaf: {  	[dreg:$0x3] =	wrdreg $0x9  }
0xb0: {  	_ =	task.clear_ibuf [dreg:s6], $0x4FFFF;
	_ =	strace $0x90000046  }
0xb1: {  	s29 =	simm.s32 $0x9;
	_ =	strace $0x80000048  }
0xb2: {  	_ =	swait.ge [sflag:s29], $0x1  }
0xb3: {  	[sflag:s29] =	ssyncadd.s32 $0xFFFFFFFF  }
0xb4: {  	_ =	strace $0x90000048  }
0xb5: {  	_ =	sfence  }
0xb6: {  	s30 =	sld [smem:$0x0];
	_ =	sdelay $0x2  }
0xb7: {  	s31 =	sshll.u32 s1, $0xD;
	s1 =	sshrl.u32 s1, $0x2  }
0xb8: {  	s3 =	sand.u32 $0x4000, s31;
	s1 =	sadd.s32 s1, s30  }
0xb9: {  	s0 =	sor.u32 s3, s0;
	s1 =	sshll.u32 s1, $0x11  }
0xba: {  	s0 =	sor.u32 s1, s0  }
0xbb: {  	s0 =	sadd.s32 $0x8F2B, s0  }
0xbc: {  	[sflag:s0] =	ssyncadd.remote.s32 $0x1  }
0xbd: {  	_ =	sfence.sel $0xFFFF  }
0xbe: {  	[dreg:$0x0] =	wrdreg $0xFFFFFFFF;
	(pc) =	sbr.abs _section_cstart, $3  }
0xbf: {  	[dreg:$0x1] =	wrdreg $0xFFFFFFFF  }
0xc0: {  	_ =	task.clear_ibuf [dreg:s6], $0x2FFFF;
	_ =	strace $0x9FFFFFFF  }
0xc1: {  	(tm) =	ssettm $0x7FFFFFFF  }
tec
execute0_lowered:
.L_overlay_start_1:
0x0: {  	(tag) =	ssettag $0x1  }
0x1: {  	s0 =	srdreg.scid;
	s5 =	rddreg [dreg:$0x0]  }
0x2: {  	s1 =	stileid.u32;
	s6 =	simm.s32 $0x1;
	s9 =	simm.s32 $0x1  }
0x3: {  	s10 =	simm.s32 $0x3;
	s13 =	simm.s32 $0x0;
	s2 =	sshll.u32 s0, $0x8  }
0x4: {  	s12 =	simm.s32 $0x0;
	s3 =	sshll.u32 s1, $0x9;
	s4 =	sand.u32 $0x100, s2  }
0x5: {  	s0 =	rddreg [dreg:$0x1];
	_ =	strace $0x80000047;
	s3 =	sor.u32 s3, s4  }
0x6: {  	s2 =	sadd.s32 $0x189C00, s5;
	[sflag:s6] =	ssyncpa.u1 $0x0;
	s8 =	ssub.s32 $0x4000, s3  }
.Ltmp0:
0x7: {  	s4 =	sadd.s32 $0x189400, s5;
	s7 =	sand.u32 $0x1F00, s8;
	(pc) =	sbr.rel .LBB2_1-.Ltmp0, $4  }
0x8: {  	s5 =	sadd.s32 $0x1AB800, s5;
	s11 =	smov.u32 s3;
	p0 =	sne.s32 s7, $0x0  }
0x9: {  	s8 =	sshrl.u32 s8, $0xD;
	s7 =	simm.s32 $0x2;
	s9 =	simm.s32 @!p0 $0x0  }
0xa: {  	[sflag:s7] =	ssyncpa.u1 $0x0;
	p0 =	por $0x0, $0x0;
	s8 =	sadd.s32 s9, s8  }
0xb: {  	vm0 =	vmmov $0xffff;
	[sflag:s10] =	ssyncpa.u1 $0x0;
	s10 =	simm.s32 $0x0;
	s9 =	sadd.s32 $0x1, s8  }
.LBB2_4:
0xc: {  	v2 =	vnsel vm1, $0x0, v2  }
0xd: {  	vm1 =	vgt.s32 v0, $0x0;
	v2 =	vmin.u32 v2, $0xF423F  }
0xe: {  	v0 =	vnsel vm1, $0x0, v0  }
0xf: {  	v0 =	vmin.u32 v0, $0xF423F  }
0x10: {  	[tilespmem:s15], [sflag:$0x1] =	stream.indirect_vreg.gather [hbm4b:s2+s10], $0x1, v1, vm0, $0x4038;
	[tilespmem:$0x400] =	vst v63  }
0x11: {  	(ifvalue) =	ssetifvalue $0x7FFFFFFF  }
0x12: {  	[tilespmem:s16], [sflag:$0x1] =	stream.indirect_vreg.gather [hbm4b:s2+s10], $0x1, v2, vm0, $0x4038;
	[tilespmem:$0x400] =	vst v63  }
0x13: {  	s29 =	sadd.s32 $0x10, s16;
	(ifvalue) =	ssetifvalue $0x7FFFFFFF  }
0x14: {  	[tilespmem:s29], [sflag:$0x1] =	stream.indirect_vreg.gather [hbm4b:s2+s10], $0x1, v0, vm0, $0x4038;
	[tilespmem:$0x400] =	vst v63  }
0x15: {  	_ =	swait.ge [sflag:s6], $0x100  }
0x16: {  	s30 =	sshrl.u32 s13, $0x3;
	[sflag:s6] =	ssyncset.done $0x0  }
0x17: {  	s31 =	sand.u32 $0x7, s13;
	s15 =	sadd.s32 s5, s30;
	[sflag:s6] =	ssyncadd.s32 $0xFFFFFF00  }
0x18: {  	[hbm4b:s15+s31] =	stream.linear.scatter [tilespmem:s14], [sflag:$0x3], $0x100, $0x38;
	[tilespmem:$0x400] =	vst v63  }
.LBB2_5:
0x19: {  	s15 =	sadd.s32 $0x2000, s11  }
0x1a: {  	p2 =	sgt.s32 s15, $0x3FFF  }
0x1b: {  	s15 =	smov.u32 @p2 s3;
	p2 =	sne.s32 s12, s9  }
.Ltmp1:
0x1c: {  	p1 =	slt.u32 s12, $0x2;
	(pc) =	sbr.rel @!p2 .LBB2_6-.Ltmp1, $4  }
0x1d: {  	s14 =	simm.s32 @!p1 $0x3  }
0x1e: {  	s16 =	sadd.s32 $0x1, s12;
	_ =	swait.ge @!p1 [sflag:s14], $0x100  }
0x1f: {  	s13 =	smov.u32 s11;
	p0 =	por !p0, !p0;
	[sflag:s14] =	ssyncset.done @!p1 $0x0  }
0x20: {  	s12 =	smov.u32 s16;
	s11 =	smov.u32 s15;
	[sflag:s14] =	ssyncadd.s32 @!p1 $0xFFFFFF00  }
.LBB2_1:
0x21: {  	p1 =	sge.u32 s12, s8  }
0x22: {  	s14 =	sxor.u32 @!p1 $0xFFFFFFFF, s12  }
0x23: {  	s31 =	sadd.s32 $0xFFFFFFFF, s12;
	s15 =	sshrl.u32 @!p1 s11, $0x3;
	s14 =	sshll.u32 @!p1 s14, $0x8  }
0x24: {  	s16 =	sand.u32 @!p1 $0x7, s11;
	s15 =	sadd.s32 @!p1 s4, s15;
	s14 =	sand.u32 @!p1 $0x100, s14  }
0x25: {  	[tilespmem:s14], [sflag:$0x2] =	stream.linear.gather @!p1 [hbm4b:s15+s16], $0x100, $0x38;
	[tilespmem:$0x400] =	vst v63  }
0x26: {  	p1 =	sge.u32 s31, s8  }
.Ltmp2:
0x27: {  	_ = 	snop;
	(pc) =	sbr.rel @p1 .LBB2_5-.Ltmp2, $1  }
0x28: {  	_ =	sdelay $0x3  }
0x29: {  	s14 =	simm.s32 $0x1  }
0x2a: {  	_ =	swait.ge [sflag:s7], $0x100;
	s14 =	simm.s32 @!p0 $0x0  }
0x2b: {  	[sflag:s7] =	ssyncset.done $0x0;
	s14 =	sshll.u32 s14, $0x8  }
0x2c: {  	[sflag:s7] =	ssyncadd.s32 $0xFFFFFF00;
	(ifvalue) =	ssetifvalue $0x7FFFFFFF;
	v0 =	vld.msk [tilespmem:s14+$0x0 ss:$0x1], $0xffff;
	_ =	sdelay $0x4  }
0x2d: {  	s15 =	sadd.s32 $0x10, s14;
	vm1 =	vgt.s32 v0, $0x0  }
0x2e: {  	v2 =	vld.msk [tilespmem:s15+$0x0 ss:$0x1], $0xffff;
	v1 =	vnsel vm1, $0x0, v0  }
0x2f: {  	v1 =	vmin.u32 v1, $0xF423F;
	_ =	sdelay $0x1  }
0x30: {  	s16 =	sshll.u32 s12, $0x8;
	s18 =	simm.s32 $0x20  }
0x31: {  	s16 =	sand.u32 $0x100, s16;
	s17 =	sadd.s32 $0x10, s15;
	s15 =	sor.u32 $0x200, s14  }
0x32: {  	s14 =	sor.u32 $0x200, s16;
	s16 =	sadd.s32 $0x10, s15;
	v0 =	vld.msk [tilespmem:s17+$0x0 ss:$0x1], $0xffff;
	vm1 =	vgt.s32 v2, $0x0;
	(ifvalue) =	ssetifvalue $0x7FFFFFFF  }
.LBB2_3:
0x33: {  	[tilespmem:s15], [sflag:$0x1] =	stream.indirect_vreg.gather [hbm4b:s2+s10], $0x1, v1, vm0, $0x4038;
	[tilespmem:$0x400] =	vst v63  }
0x34: {  	s18 =	sadd.s32 $0x10, s18  }
0x35: {  	v2 =	vnsel vm1, $0x0, v2;
	p1 =	slt.u32 s18, $0xF0  }
.Ltmp3:
0x36: {  	s15 =	smov.u32 s16;
	v1 =	vmin.u32 v2, $0xF423F;
	(pc) =	sbr.rel @p1 .LBB2_3-.Ltmp3, $3  }
0x37: {  	_ =	sdelay $0x1  }
0x38: {  	s17 =	sadd.s32 $0x10, s17  }
0x39: {  	vm1 =	vgt.s32 v0, $0x0;
	s16 =	sadd.s32 $0x10, s16;
	v2 =	vmov v0;
	(ifvalue) =	ssetifvalue $0x7FFFFFFF;
	v0 =	vld.msk [tilespmem:s17+$0x0 ss:$0x1], $0xffff  }
.Ltmp4:
0x3a: {  	_ = 	snop;
	(pc) =	sbr.rel .LBB2_4-.Ltmp4, $1  }
0x3b: {  	_ =	sdelay $0x3  }
.LBB2_6:
0x3c: {  	_ =	sfence.sel $0x180000  }
0x3d: {  	s2 =	simm.s32 $0x2;
	[bflag:$0x0] =	sbarrier.arrive $0xFFFF  }
0x3e: {  	s30 =	simm.s32 $0x3;
	[sflag:s2] =	ssyncpa.u1 $0x1  }
0x3f: {  	s31 =	simm.s32 $0x1;
	[sflag:s30] =	ssyncpa.u1 $0x1  }
0x40: {  	[sflag:s31] =	ssyncpa.u1 $0x1  }
0x41: {  	p0 =	sne.s32 s1, $0x0;
	_ =	strace $0x90000047  }
0x42: {  	s0 =	sadd.s32 @!p0 $0x100000, s0;
	[bflag:$0x2] =	sbarrier.arrive $0xFFFF  }
0x43: {  	[sflag:s0] =	ssyncadd.tile.s32 @!p0 $0x1;
	_ =	shalt  }
.Lfunc_end2:
_tile_overlayer_lowered:
.L_overlay_start_2:
0x44: {  	(tag) =	ssettag $0x2  }
0x45: {  	s0 =	rddreg [dreg:$0x0];
	s2 =	stileid.u32  }
0x46: {  	s1 =	rddreg [dreg:$0x1];
	p0 =	sne.s32 s2, $0x0  }
0x47: {  	s3 =	rddreg [dreg:$0x2];
	[bflag:$0x3] =	sbarrier.arrive $0xFFFF;
	s2 =	simm.s32 @!p0 $0x1C01  }
0x48: {  	[timem:s3], [sflag:s2] =	dma.local @!p0 [hbm:s0], s1  }
0x49: {  	s0 =	simm.s32 @!p0 $0x1  }
0x4a: {  	_ =	swait.ge @!p0 [sflag:s0], s1  }
0x4b: {  	s1 =	ssub.s32 @!p0 $0x0, s1;
	[sflag:s0] =	ssyncset.done @!p0 $0x0  }
0x4c: {  	[sflag:s0] =	ssyncadd.s32 @!p0 s1  }
0x4d: {  	[bflag:$0x3] =	sbarrier.arrive $0xFFFF  }
0x4e: {  	_ =	shalt  }

// kernel: kernel.4.cloned.1.call-start
scs
__scs_entry_jumppad:
0x0: {  	(pc) =	sbr.rel $0x88, $3  }
0x1: {  	(tag) =	ssettag $0x0;
	lr =	simm.s32 $0x1  }
0x2: {  	[smem:$0x3F90] =	sst lr;
	_ =	strace $0xD0000000  }
0x3: {  	_ = 	snop  }
0x4: {  	_ = 	snop  }
0x5: {  	_ = 	snop  }
0x6: {  	_ = 	snop  }
0x7: {  	_ = 	snop  }
__scs_overlays_trampoline_lowered:
0x8: {  	[smem:$0x3F9F] =	sst s0  }
0x9: {  	[smem:$0x3FA0] =	sst s1  }
0xa: {  	[smem:$0x3FA1] =	sst s2  }
0xb: {  	[smem:$0x3FA2] =	sst s3  }
0xc: {  	[smem:$0x3FA3] =	sst s4  }
0xd: {  	[smem:$0x3FA4] =	sst s5  }
0xe: {  	[smem:$0x3FA5] =	sst s6  }
0xf: {  	[smem:$0x3FA6] =	sst s7  }
0x10: {  	[smem:$0x3FA7] =	sst s8  }
0x11: {  	[smem:$0x3FA8] =	sst s9;
	s0 =	simm.s32 @!p0 $0x0  }
0x12: {  	s1 =	sld [smem:$0x3F8E];
	s0 =	simm.s32 @p0 $0x1  }
0x13: {  	[smem:$0x3FA9] =	sst s0;
	s0 =	simm.s32 @!p1 $0x0  }
0x14: {  	s2 =	sld [smem:$0x3F8D];
	s0 =	simm.s32 @p1 $0x1  }
0x15: {  	[smem:$0x3FAA] =	sst s0;
	s0 =	simm.s32 @!p2 $0x0  }
0x16: {  	s3 =	sld [smem:$0x3FDB];
	s0 =	simm.s32 @p2 $0x1  }
0x17: {  	s4 =	simm.s32 $0x1BF5;
	[smem:$0x3FAC] =	sst s0  }
0x18: {  	s0 =	sld [smem:$0x3F8F];
	_ =	swait.ge [sflag:s4], $0x0  }
0x19: {  	s7 =	sld [smem:$0x3F90]  }
0x1a: {  	s8 =	sadd.s32 $0xFFFFE003, lr  }
0x1b: {  	s9 =	sadd.s32 $0xFFFFFEF7, lr;
	s5 =	simm.s32 $0xFFFFFFFF;
	p2 =	slt.u32 s8, $0xFFFFF086  }
0x1c: {  	p1 =	slt.u32 s9, $0xF7A;
	s5 =	simm.s32 @!p2 $0x0  }
0x1d: {  	s5 =	simm.s32 @p1 $0x1;
	p0 =	seq.s32 s7, s2  }
0x1e: {  	s7 =	smul.u32 @!p0 $0xF7A, s2;
	p2 =	seq.s32 @!p0 s5, $0x0  }
0x1f: {  	s9 =	smul.u32 $0xF7A, s1;
	s8 =	simm.s32 @!p0 $0x1BF5;
	p2 =	por !p2, p0  }
0x20: {  	[sflag:s8] =	ssyncset.s32 @!p0 $0xFFFFF086;
	s6 =	sadd.s32 @!p0 s3, s7;
	s7 =	simm.s32 @!p0 $0x108  }
0x21: {  	s3 =	sadd.s32 s3, s9;
	s6 =	sadd.s32 @!p0 $0x88, s6;
	s7 =	simm.s32 @p2 $0x1082  }
0x22: {  	[simem:s7], [sflag:s8] =	dma.local @!p0 [hbm:s6], $0xF7A  }
0x23: {  	s9 =	sor.u32 $0xD0000000, s2;
	s6 =	simm.s32 $0x108;
	_ =	swait.ge @!p0 [sflag:s8], $0x0  }
0x24: {  	s3 =	sadd.s32 $0x88, s3;
	s6 =	simm.s32 @!p1 $0x1082;
	[sflag:s4] =	ssyncset.s32 $0xFFFFF086  }
0x25: {  	[simem:s6], [sflag:s4] =	dma.local [hbm:s3], $0xF7A  }
0x26: {  	[smem:$0x3F90] =	sst s1;
	(tag) =	ssettag s2;
	_ =	strace s9  }
0x27: {  	s1 =	sld [smem:$0x3FA0]  }
0x28: {  	s2 =	sld [smem:$0x3FA1]  }
0x29: {  	s4 =	sld [smem:$0x3FA3]  }
0x2a: {  	p0 =	seq.s32 s5, $0x0;
	s5 =	sld [smem:$0x3FA4]  }
0x2b: {  	s6 =	sld [smem:$0x3FA5]  }
0x2c: {  	s7 =	sld [smem:$0x3FA6]  }
0x2d: {  	s3 =	simm.s32 $0x108;
	s8 =	sld [smem:$0x3FA7]  }
0x2e: {  	s3 =	simm.s32 @!p0 $0x1082;
	s9 =	sld [smem:$0x3FA8]  }
0x2f: {  	lr =	sadd.s32 s0, s3;
	s0 =	sld [smem:$0x3F9F]  }
0x30: {  	s3 =	sld [smem:$0x3FA2]  }
0x31: {  	[smem:$0x3FAB] =	sst s10  }
0x32: {  	s10 =	sld [smem:$0x3FA9];
	_ =	sdelay $0x3  }
0x33: {  	p0 =	seq.s32 s10, $0x1;
	s10 =	sld [smem:$0x3FAB];
	_ =	sdelay $0x3  }
0x34: {  	[smem:$0x3FAB] =	sst s10  }
0x35: {  	s10 =	sld [smem:$0x3FAA];
	_ =	sdelay $0x3  }
0x36: {  	p1 =	seq.s32 s10, $0x1;
	s10 =	sld [smem:$0x3FAB];
	_ =	sdelay $0x3  }
0x37: {  	[smem:$0x3FAB] =	sst s10  }
0x38: {  	s10 =	sld [smem:$0x3FAC]  }
0x39: {  	_ = 	snop;
	(pc) =	sbr.ind lr, $3  }
0x3a: {  	_ = 	snop  }
0x3b: {  	_ = 	snop  }
0x3c: {  	p2 =	seq.s32 s10, $0x1;
	s10 =	sld [smem:$0x3FAB]  }
0x3d: {  	_ =	shalt  }
0x3e: {  	_ =	shalt  }
0x3f: {  	_ =	shalt  }
0x40: {  	_ =	shalt  }
0x41: {  	_ =	shalt  }
0x42: {  	_ =	shalt  }
0x43: {  	_ =	shalt  }
0x44: {  	_ =	shalt  }
0x45: {  	_ =	shalt  }
0x46: {  	_ =	shalt  }
0x47: {  	_ =	shalt  }
0x48: {  	_ =	shalt  }
0x49: {  	_ =	shalt  }
0x4a: {  	_ =	shalt  }
0x4b: {  	_ =	shalt  }
0x4c: {  	_ =	shalt  }
0x4d: {  	_ =	shalt  }
0x4e: {  	_ =	shalt  }
0x4f: {  	_ =	shalt  }
0x50: {  	_ =	shalt  }
0x51: {  	_ =	shalt  }
0x52: {  	_ =	shalt  }
0x53: {  	_ =	shalt  }
0x54: {  	_ =	shalt  }
0x55: {  	_ =	shalt  }
0x56: {  	_ =	shalt  }
0x57: {  	_ =	shalt  }
0x58: {  	_ =	shalt  }
0x59: {  	_ =	shalt  }
0x5a: {  	_ =	shalt  }
0x5b: {  	_ =	shalt  }
0x5c: {  	_ =	shalt  }
0x5d: {  	_ =	shalt  }
0x5e: {  	_ =	shalt  }
0x5f: {  	_ =	shalt  }
0x60: {  	_ =	shalt  }
0x61: {  	_ =	shalt  }
0x62: {  	_ =	shalt  }
0x63: {  	_ =	shalt  }
0x64: {  	_ =	shalt  }
0x65: {  	_ =	shalt  }
0x66: {  	_ =	shalt  }
0x67: {  	_ =	shalt  }
0x68: {  	_ =	shalt  }
0x69: {  	_ =	shalt  }
0x6a: {  	_ =	shalt  }
0x6b: {  	_ =	shalt  }
0x6c: {  	_ =	shalt  }
0x6d: {  	_ =	shalt  }
0x6e: {  	_ =	shalt  }
0x6f: {  	_ =	shalt  }
0x70: {  	_ =	shalt  }
0x71: {  	_ =	shalt  }
0x72: {  	_ =	shalt  }
0x73: {  	_ =	shalt  }
0x74: {  	_ =	shalt  }
0x75: {  	_ =	shalt  }
0x76: {  	_ =	shalt  }
0x77: {  	_ =	shalt  }
0x78: {  	_ =	shalt  }
0x79: {  	_ =	shalt  }
0x7a: {  	_ =	shalt  }
0x7b: {  	_ =	shalt  }
0x7c: {  	_ =	shalt  }
0x7d: {  	_ =	shalt  }
0x7e: {  	_ =	shalt  }
0x7f: {  	_ =	shalt  }
0x80: {  	_ =	shalt  }
0x81: {  	_ =	shalt  }
0x82: {  	_ =	shalt  }
0x83: {  	_ =	shalt  }
0x84: {  	_ =	shalt  }
0x85: {  	_ =	shalt  }
0x86: {  	_ =	shalt  }
0x87: {  	_ =	shalt  }
.Lfunc_end0:
.L_simem_size_0:
called_computation.2_lowered:
.L_overlay_start_0:
0x88: {  	s2 =	sld [smem:$0x3FD9]  }
0x89: {  	s3 =	sld [smem:$0x3FFE];
	_ =	sdelay $0x1  }
0x8a: {  	s1 =	srdreg.scid  }
0x8b: {  	s0 =	sand.u32 $0x1, s1  }
0x8c: {  	s17 =	sshll.u32 s0, $0xA;
	s2 =	sadd.s32 s3, s2  }
0x8d: {  	s2 =	sadd.s32 s2, s17  }
0x8e: {  	[smem:$0x3FB7] =	sst s2  }
0x8f: {  	_ = 	snop  }
0x90: {  	s18 =	sld [smem:$0x3FC9]  }
0x91: {  	s4 =	sld [smem:$0x3FC8];
	(tm) =	ssettm $0x1  }
0x92: {  	s19 =	sld [smem:$0x3FFB];
	_ =	sdelay $0x3  }
0x93: {  	_ =	strace s19  }
0x94: {  	s2 =	sld [smem:$0x3FFC];
	_ =	sdelay $0x3  }
0x95: {  	_ =	strace s2  }
0x96: {  	s2 =	sld [smem:$0x3FFD];
	_ =	sdelay $0x3  }
0x97: {  	_ =	strace s2  }
0x98: {  	_ =	strace $0x8FFFFFFF  }
0x99: {  	s20 =	sld [smem:$0x3FDB];
	_ =	sdelay $0x1  }
0x9a: {  	s5 =	simm.s32 $_scs_section_size  }
0x9b: {  	s6 =	simm.s32 $_size__tile_overlayer_lowered;
	s7 =	simm.s32 $_tile_overlayer_lowered  }
0x9c: {  	s8 =	simm.s32 $0x1BFF;
	s21 =	sshll.u32 s7, $0x1;
	s5 =	sadd.s32 s5, s20  }
0x9d: {  	s22 =	simm.s32 $0x0;
	s6 =	sshll.u32 s6, $0x1;
	s7 =	sadd.s32 s21, s5  }
0x9e: {  	[timem:s22], [sflag:s8] =	dma.local [hbm:s7], s6  }
0x9f: {  	_ =	swait.ge [sflag:s8], s6  }
0xa0: {  	s6 =	ssub.s32 $0x0, s6;
	[sflag:s8] =	ssyncset.done $0x0  }
0xa1: {  	[sflag:s8] =	ssyncadd.s32 s6;
	_ =	sdelay $0x1  }
0xa2: {  	s23 =	simm.s32 $0x1B8B  }
0xa3: {  	_ =	swait.ge [sflag:s23], $0x1  }
0xa4: {  	[sflag:s23] =	ssyncset.done $0x0  }
0xa5: {  	[sflag:s23] =	ssyncadd.s32 $0xFFFFFFFF  }
0xa6: {  	s6 =	sld [smem:$0x0]  }
0xa7: {  	s7 =	sand.u32 $0xFFFFFFFE, s1  }
0xa8: {  	p0 =	sne.s32 s1, s7  }
0xa9: {  	s7 =	sshll.u32 @p0 s7, $0xE  }
0xaa: {  	s7 =	sadd.s32 @p0 $0x11B8D, s7;
	s8 =	sshll.u32 @p0 s6, $0x11  }
0xab: {  	s7 =	sor.u32 @p0 s8, s7  }
0xac: {  	[sflag:s7] =	ssyncadd.remote.s32 @p0 $0x1;
	_ =	sdelay $0x1  }
0xad: {  	s7 =	simm.s32 @p0 $0x1B8D  }
0xae: {  	_ =	swait.eq @p0 [sflag:s7], $0x1  }
0xaf: {  	[sflag:s7] =	ssyncadd.s32 @p0 $0xFFFFFFFF  }
0xb0: {  	s8 =	sshll.u32 @!p0 s1, $0xE  }
0xb1: {  	s8 =	sor.u32 @!p0 $0x4000, s8;
	s7 =	simm.s32 @!p0 $0x1B8D  }
0xb2: {  	s6 =	sshll.u32 @!p0 s6, $0x11;
	s8 =	sadd.s32 @!p0 $0x11B8D, s8;
	_ =	swait.eq @!p0 [sflag:s7], $0x1  }
0xb3: {  	s6 =	sor.u32 @!p0 s6, s8;
	[sflag:s7] =	ssyncadd.s32 @!p0 $0xFFFFFFFF  }
0xb4: {  	s25 =	simm.s32 $0x1B8E;
	s24 =	sld [smem:$0x3FFE];
	[sflag:s6] =	ssyncadd.remote.s32 @!p0 $0x1  }
0xb5: {  	s26 =	simm.s32 $execute0_lowered;
	[smem:$0x3FD2] =	sst s25  }
0xb6: {  	s7 =	sshll.u32 s26, $0x1;
	_ =	strace $0x8000004C;
	[dreg:$0x1] =	wrdreg $0xFFFFFFFF  }
0xb7: {  	s28 =	simm.s32 $_size_execute0_lowered;
	s5 =	sadd.s32 s5, s7;
	[dreg:$0x0] =	wrdreg $0x0  }
0xb8: {  	s7 =	sshll.u32 s28, $0x1;
	[dreg:$0x2] =	wrdreg s5  }
0xb9: {  	[dreg:$0x3] =	wrdreg s7  }
0xba: {  	[dreg:$0x4] =	wrdreg $0xC0  }
0xbb: {  	_ =	task [dreg:s22], $0x5FFFF  }
0xbc: {  	[dreg:$0x1] =	wrdreg $0xFFFFFFFF  }
0xbd: {  	[dreg:$0x0] =	wrdreg $0x60  }
0xbe: {  	[dreg:$0x2] =	wrdreg s18  }
0xbf: {  	[dreg:$0x3] =	wrdreg s4  }
0xc0: {  	[dreg:$0x4] =	wrdreg s24  }
0xc1: {  	[dreg:$0x5] =	wrdreg $0xB  }
0xc2: {  	_ =	task.clear_ibuf [dreg:s22], $0x6FFFF;
	_ =	strace $0x9000004C  }
0xc3: {  	s29 =	simm.s32 $0xB;
	_ =	strace $0x8000004E  }
0xc4: {  	_ =	swait.ge [sflag:s29], $0x1  }
0xc5: {  	[sflag:s29] =	ssyncadd.s32 $0xFFFFFFFF  }
0xc6: {  	_ =	strace $0x9000004E  }
0xc7: {  	_ =	sfence  }
0xc8: {  	s30 =	sld [smem:$0x0];
	_ =	sdelay $0x2  }
0xc9: {  	s31 =	sshll.u32 s1, $0xD;
	s1 =	sshrl.u32 s1, $0x2  }
0xca: {  	s4 =	sand.u32 $0x4000, s31;
	s1 =	sadd.s32 s1, s30  }
0xcb: {  	s0 =	sor.u32 s4, s0;
	s1 =	sshll.u32 s1, $0x11  }
0xcc: {  	s0 =	sor.u32 s1, s0  }
0xcd: {  	s0 =	sadd.s32 $0x8F2B, s0  }
0xce: {  	[sflag:s0] =	ssyncadd.remote.s32 $0x1  }
0xcf: {  	_ =	sfence.sel $0xFFFF  }
0xd0: {  	[dreg:$0x0] =	wrdreg $0xFFFFFFFF;
	(pc) =	sbr.abs _section_cstart, $3  }
0xd1: {  	[dreg:$0x1] =	wrdreg $0xFFFFFFFF  }
0xd2: {  	_ =	task.clear_ibuf [dreg:s22], $0x2FFFF;
	_ =	strace $0x9FFFFFFF  }
0xd3: {  	(tm) =	ssettm $0x7FFFFFFF  }
tec
execute0_lowered:
.L_overlay_start_1:
0x0: {  	(tag) =	ssettag $0x1  }
0x1: {  	s5 =	rddreg [dreg:$0x0]  }
0x2: {  	s6 =	rddreg [dreg:$0x1]  }
0x3: {  	s7 =	rddreg [dreg:$0x2]  }
0x4: {  	s0 =	rddreg [dreg:$0x3];
	s1 =	simm.s32 $0x0;
	s8 =	srdreg.scid  }
0x5: {  	s2 =	stileid.u32;
	s14 =	simm.s32 $0x100;
	s15 =	simm.s32 $0x400  }
0x6: {  	s16 =	simm.s32 $0x800;
	s17 =	simm.s32 $0x600;
	s18 =	simm.s32 $0x8800  }
0x7: {  	s19 =	simm.s32 $0x1;
	s20 =	simm.s32 $0x2;
	s21 =	simm.s32 $0x500  }
0x8: {  	s22 =	simm.s32 $0x700;
	s23 =	simm.s32 $0x0;
	[smem:$0x7FF] =	sst s1  }
0x9: {  	s3 =	sadd.s32 $0xF44E00, s7;
	s4 =	sadd.s32 $0x1AC800, s7;
	s8 =	sand.u32 $0x1, s8  }
0xa: {  	s10 =	sshll.u32 s2, $0xA;
	s9 =	ssub.s32 $0x2, s8;
	s8 =	sshll.u32 s8, $0x9  }
0xb: {  	s11 =	sadd.s32 $0x2A00, s7;
	s29 =	sadd.s32 $0x42A00, s7;
	s8 =	sor.u32 s8, s10  }
0xc: {  	_ =	strace $0x8000004D;
	s12 =	sshrl.u32 s9, $0x1;
	s30 =	sshrl.u32 s8, $0x3  }
0xd: {  	s12 =	ssub.s32 s9, s12;
	s31 =	sshll.u32 s8, $0x4;
	s5 =	sadd.s32 s5, s30  }
0xe: {  	s6 =	sadd.s32 s6, s30;
	s7 =	sadd.s32 s11, s31;
	s13 =	sor.u32 $0x1000, s31  }
0xf: {  	s8 =	sadd.s32 s29, s31;
	s9 =	sadd.s32 s11, s13;
	s10 =	sadd.s32 s29, s13  }
0x10: {  	s11 =	smax.u32 s12, $0x1;
	s12 =	simm.s32 $0x3;
	s13 =	simm.s32 $0x200  }
.LBB2_1:
0x11: {  	[tilespmem:s1], [sflag:$0x3] =	stream.linear.gather [hbm4b:s5+s1], $0x200, $0x38;
	[tilespmem:$0x10800] =	vst v63  }
0x12: {  	_ =	swait.ge [sflag:s12], $0x200  }
0x13: {  	[sflag:s12] =	ssyncset.done $0x0  }
0x14: {  	[sflag:s12] =	ssyncadd.s32 $0xFFFFFE00  }
0x15: {  	[tilespmem:s13], [sflag:$0x3] =	stream.linear.gather [hbm4b:s6+s1], $0x200, $0x38;
	[tilespmem:$0x10800] =	vst v63  }
0x16: {  	_ =	swait.ge [sflag:s12], $0x200  }
0x17: {  	[sflag:s12] =	ssyncset.done $0x0  }
0x18: {  	s24 =	simm.s32 $0x0;
	[sflag:s12] =	ssyncadd.s32 $0xFFFFFE00  }
0x19: {  	v0 =	vld [tilespmem:s24+$0x200]  }
0x1a: {  	s25 =	simm.s32 $0x40;
	v1 =	vld [tilespmem:s24+$0x0]  }
.LBB2_2:
0x1b: {  	p0 =	sne.s32 s25, $0x7C0  }
.Ltmp0:
0x1c: {  	_ = 	snop;
	(pc) =	sbr.rel @p0 .LBB2_2-.Ltmp0, $4  }
0x1d: {  	_ = 	snop  }
0x1e: {  	s26 =	sshra.s32 s25, $0x2;
	s25 =	sadd.s32 $0x40, s25;
	v2 =	vshrl.u32 v0, $0x1  }
0x1f: {  	v0 =	vld [tilespmem:s26+$0x200];
	v3 =	vshrl.u32 v1, $0x1;
	[tilespmem:s24+$0x600] =	vst v2  }
0x20: {  	v1 =	vld [tilespmem:s26+$0x0];
	[tilespmem:s24+$0x400] =	vst v3;
	s24 =	smov.u32 s26  }
0x21: {  	_ =	sdelay $0x2  }
0x22: {  	v0 =	vshrl.u32 v0, $0x1  }
0x23: {  	v1 =	vshrl.u32 v1, $0x1;
	[tilespmem:s24+$0x600] =	vst v0  }
0x24: {  	[tilespmem:s24+$0x400] =	vst v1  }
0x25: {  	[tilespmem:s16], [sflag:$0x1] =	stream.indirect.gather [hbm4b:s3+s14], $0x80, s15, s14, $0xb8;
	[tilespmem:$0x10800] =	vst v63  }
0x26: {  	_ = 	snop  }
0x27: {  	[tilespmem:s18], [sflag:$0x2] =	stream.indirect.gather [hbm4b:s4+s14], $0x80, s17, s14, $0xb8;
	[tilespmem:$0x10800] =	vst v63  }
0x28: {  	_ =	swait.ge [sflag:s19], $0x8000  }
0x29: {  	[sflag:s19] =	ssyncset.done $0x0  }
0x2a: {  	[sflag:s19] =	ssyncadd.s32 $0xFFFF8000  }
0x2b: {  	[hbm4b:s7+s1] =	stream.linear.scatter [tilespmem:s16], [sflag:$0x3], $0x8000, $0x38;
	[tilespmem:$0x10800] =	vst v63  }
0x2c: {  	_ =	swait.ge [sflag:s12], $0x8000  }
0x2d: {  	[sflag:s12] =	ssyncset.done $0x0  }
0x2e: {  	[sflag:s12] =	ssyncadd.s32 $0xFFFF8000  }
0x2f: {  	_ =	swait.ge [sflag:s20], $0x8000  }
0x30: {  	[sflag:s20] =	ssyncset.done $0x0  }
0x31: {  	[sflag:s20] =	ssyncadd.s32 $0xFFFF8000  }
0x32: {  	[hbm4b:s8+s1] =	stream.linear.scatter [tilespmem:s18], [sflag:$0x3], $0x8000, $0x38;
	[tilespmem:$0x10800] =	vst v63  }
0x33: {  	_ =	swait.ge [sflag:s12], $0x8000  }
0x34: {  	[sflag:s12] =	ssyncset.done $0x0  }
0x35: {  	[sflag:s12] =	ssyncadd.s32 $0xFFFF8000  }
0x36: {  	[tilespmem:s16], [sflag:$0x1] =	stream.indirect.gather [hbm4b:s3+s14], $0x80, s21, s14, $0xb8;
	[tilespmem:$0x10800] =	vst v63  }
0x37: {  	_ = 	snop  }
0x38: {  	[tilespmem:s18], [sflag:$0x2] =	stream.indirect.gather [hbm4b:s4+s14], $0x80, s22, s14, $0xb8;
	[tilespmem:$0x10800] =	vst v63  }
0x39: {  	_ =	swait.ge [sflag:s19], $0x8000  }
0x3a: {  	[sflag:s19] =	ssyncset.done $0x0  }
0x3b: {  	[sflag:s19] =	ssyncadd.s32 $0xFFFF8000  }
0x3c: {  	[hbm4b:s9+s1] =	stream.linear.scatter [tilespmem:s16], [sflag:$0x3], $0x8000, $0x38;
	[tilespmem:$0x10800] =	vst v63  }
0x3d: {  	_ =	swait.ge [sflag:s12], $0x8000  }
0x3e: {  	[sflag:s12] =	ssyncset.done $0x0  }
0x3f: {  	[sflag:s12] =	ssyncadd.s32 $0xFFFF8000  }
0x40: {  	s23 =	sadd.s32 $0x1, s23;
	_ =	swait.ge [sflag:s20], $0x8000  }
0x41: {  	p0 =	sne.s32 s23, s11;
	[sflag:s20] =	ssyncset.done $0x0  }
.Ltmp1:
0x42: {  	[sflag:s20] =	ssyncadd.s32 $0xFFFF8000;
	(pc) =	sbr.rel @p0 .LBB2_1-.Ltmp1, $4  }
0x43: {  	[hbm4b:s10+s1] =	stream.linear.scatter [tilespmem:s18], [sflag:$0x3], $0x8000, $0x38;
	[tilespmem:$0x10800] =	vst v63  }
0x44: {  	_ =	swait.ge [sflag:s12], $0x8000  }
0x45: {  	[sflag:s12] =	ssyncset.done $0x0  }
0x46: {  	[sflag:s12] =	ssyncadd.s32 $0xFFFF8000  }
0x47: {  	_ =	sfence.sel $0x180000  }
0x48: {  	[bflag:$0x0] =	sbarrier.arrive $0xFFFF  }
0x49: {  	p0 =	sne.s32 s2, $0x0;
	_ =	strace $0x9000004D  }
0x4a: {  	s0 =	sadd.s32 @!p0 $0x100000, s0;
	[bflag:$0x2] =	sbarrier.arrive $0xFFFF  }
0x4b: {  	[sflag:s0] =	ssyncadd.tile.s32 @!p0 $0x1;
	_ =	shalt  }
.Lfunc_end2:
_tile_overlayer_lowered:
.L_overlay_start_2:
0x4c: {  	(tag) =	ssettag $0x2  }
0x4d: {  	s0 =	rddreg [dreg:$0x0];
	s2 =	stileid.u32  }
0x4e: {  	s1 =	rddreg [dreg:$0x1];
	p0 =	sne.s32 s2, $0x0  }
0x4f: {  	s3 =	rddreg [dreg:$0x2];
	[bflag:$0x3] =	sbarrier.arrive $0xFFFF;
	s2 =	simm.s32 @!p0 $0x1C03  }
0x50: {  	[timem:s3], [sflag:s2] =	dma.local @!p0 [hbm:s0], s1  }
0x51: {  	s0 =	simm.s32 @!p0 $0x3  }
0x52: {  	_ =	swait.ge @!p0 [sflag:s0], s1  }
0x53: {  	s1 =	ssub.s32 @!p0 $0x0, s1;
	[sflag:s0] =	ssyncset.done @!p0 $0x0  }
0x54: {  	[sflag:s0] =	ssyncadd.s32 @!p0 s1  }
0x55: {  	[bflag:$0x3] =	sbarrier.arrive $0xFFFF  }
0x56: {  	_ =	shalt  }

</sc_bundles>
